<compile_context>
chip_gen: v7x
topology: tpu7x:2x2x1
jax: 0.10.2.dev20260603
libtpu: 0.0.44.dev20260713+nightly
codegen_flags: <defaults>
</compile_context>

<pallas_src>
import functools

import jax
import jax.numpy as jnp
from jax import lax
from jax.experimental import pallas as pl
from jax.experimental.pallas import tpu as pltpu
from jax.experimental.pallas import tpu_sc as plsc

N_NODES = 10000
N_EDGES = 320000
NFEAT = 128
NCLASS = 16

NC = 2
NS = 16
BLK = 128
NBLK_TOTAL = -(-N_EDGES // BLK)
NBLK_PAD = -(-NBLK_TOTAL // (NC * NS * 8)) * (NC * NS * 8)
NBLK_PT = NBLK_PAD // (NC * NS)
E_PAD = NBLK_PAD * BLK

N_PAD = 10240
ROWS_PT = N_PAD // NS
TRASH = 10200
DUMP = 64

_mesh = plsc.VectorSubcoreMesh(core_axis_name="c", subcore_axis_name="s")


@functools.partial(
    pl.kernel,
    mesh=_mesh,
    out_type=jax.ShapeDtypeStruct((NC, N_PAD), jnp.float32),
    scratch_types=[
        pltpu.VMEM((NBLK_PT, BLK), jnp.int32),
        pltpu.VMEM((BLK,), jnp.float32),
        pltpu.VMEM((ROWS_PT,), jnp.float32),
        pltpu.VMEM_SHARED((N_PAD,), jnp.float32),
    ],
)
def _sc_degree(col_hbm, out_hbm, cidx_v, ones_v, bounce_v, deg_sh):
    cid = lax.axis_index("c")
    sid = lax.axis_index("s")
    wid = cid * NS + sid

    def fill(i, _):
        ones_v[pl.ds(i * 16, 16)] = jnp.ones((16,), jnp.float32)
        return _
    lax.fori_loop(0, BLK // 16, fill, None)

    def zero(i, _):
        bounce_v[pl.ds(i * 16, 16)] = jnp.zeros((16,), jnp.float32)
        return _
    lax.fori_loop(0, ROWS_PT // 16, zero, None)

    pltpu.sync_copy(bounce_v, deg_sh.at[pl.ds(sid * ROWS_PT, ROWS_PT)])
    plsc.subcore_barrier()

    pltpu.sync_copy(col_hbm.at[pl.ds(wid * NBLK_PT, NBLK_PT)], cidx_v)

    def body(j, _):
        pltpu.sync_copy(ones_v, deg_sh.at[cidx_v.at[j]], add=True)
        return _
    lax.fori_loop(0, NBLK_PT, body, None)

    plsc.subcore_barrier()

    pltpu.sync_copy(deg_sh.at[pl.ds(sid * ROWS_PT, ROWS_PT)], bounce_v)
    pltpu.sync_copy(bounce_v, out_hbm.at[cid, pl.ds(sid * ROWS_PT, ROWS_PT)])


@functools.partial(
    pl.kernel,
    mesh=_mesh,
    out_type=jax.ShapeDtypeStruct((NC, N_PAD, NFEAT), jnp.float32),
    scratch_types=[
        pltpu.VMEM((NBLK_PT, BLK), jnp.int32),
        pltpu.VMEM((NBLK_PT, BLK), jnp.int32),
        pltpu.VMEM((BLK, NFEAT), jnp.float32),
        pltpu.VMEM((DUMP, NFEAT), jnp.float32),
        pltpu.VMEM_SHARED((N_PAD, NFEAT), jnp.float32),
        pltpu.SemaphoreType.DMA,
    ],
)
def _sc_spmm(row_hbm, col_hbm, z_hbm, out_hbm,
             ridx_v, cidx_v, msg_v, bounce_v, acc_sh, sem):
    cid = lax.axis_index("c")
    sid = lax.axis_index("s")
    wid = cid * NS + sid

    def zero(i, _):
        def zrow(j, _):
            bounce_v[i, pl.ds(j * 16, 16)] = jnp.zeros((16,), jnp.float32)
            return _
        lax.fori_loop(0, NFEAT // 16, zrow, None)
        return _
    lax.fori_loop(0, DUMP, zero, None)

    def zacc(k, _):
        pltpu.sync_copy(
            bounce_v, acc_sh.at[pl.ds(sid * ROWS_PT + k * DUMP, DUMP), :])
        return _
    lax.fori_loop(0, ROWS_PT // DUMP, zacc, None)
    plsc.subcore_barrier()

    pltpu.sync_copy(row_hbm.at[pl.ds(wid * NBLK_PT, NBLK_PT)], ridx_v)
    pltpu.sync_copy(col_hbm.at[pl.ds(wid * NBLK_PT, NBLK_PT)], cidx_v)

    def body(j, _):
        pltpu.async_copy(z_hbm.at[ridx_v.at[j]], msg_v, sem).wait()
        pltpu.sync_copy(msg_v, acc_sh.at[cidx_v.at[j]], add=True)
        return _
    lax.fori_loop(0, NBLK_PT, body, None)

    plsc.subcore_barrier()

    def dump(k, _):
        base = sid * ROWS_PT + k * DUMP
        pltpu.sync_copy(acc_sh.at[pl.ds(base, DUMP), :], bounce_v)
        pltpu.sync_copy(bounce_v, out_hbm.at[cid, pl.ds(base, DUMP), :])
        return _
    lax.fori_loop(0, ROWS_PT // DUMP, dump, None)


_RB = 1000


def _tc_prep_body(x_ref, c0_ref, c1_ref, z_ref, dis_ref):
    deg = c0_ref[...] + c1_ref[...] + 1.0
    dis = lax.rsqrt(deg)
    z_ref[...] = x_ref[...] * dis
    dis_ref[...] = dis


def _tc_prep(x, c0, c1):
    return pl.pallas_call(
        _tc_prep_body,
        grid=(N_NODES // _RB,),
        in_specs=[
            pl.BlockSpec((_RB, NFEAT), lambda i: (i, 0)),
            pl.BlockSpec((_RB, 1), lambda i: (i, 0)),
            pl.BlockSpec((_RB, 1), lambda i: (i, 0)),
        ],
        out_specs=[
            pl.BlockSpec((_RB, NFEAT), lambda i: (i, 0)),
            pl.BlockSpec((_RB, 1), lambda i: (i, 0)),
        ],
        out_shape=[
            jax.ShapeDtypeStruct((N_NODES, NFEAT), jnp.float32),
            jax.ShapeDtypeStruct((N_NODES, 1), jnp.float32),
        ],
    )(x, c0, c1)


def _tc_final_body(p0_ref, p1_ref, z_ref, dis_ref, w_ref, b_ref, o_ref):
    s = (p0_ref[...] + p1_ref[...] + z_ref[...]) * dis_ref[...]
    o_ref[...] = jnp.dot(s, w_ref[...],
                         preferred_element_type=jnp.float32) + b_ref[...]


def _tc_final(p0, p1, z, dis, W, b2d):
    return pl.pallas_call(
        _tc_final_body,
        grid=(N_NODES // _RB,),
        in_specs=[
            pl.BlockSpec((_RB, NFEAT), lambda i: (i, 0)),
            pl.BlockSpec((_RB, NFEAT), lambda i: (i, 0)),
            pl.BlockSpec((_RB, NFEAT), lambda i: (i, 0)),
            pl.BlockSpec((_RB, 1), lambda i: (i, 0)),
            pl.BlockSpec((NFEAT, NCLASS), lambda i: (0, 0)),
            pl.BlockSpec((1, NCLASS), lambda i: (0, 0)),
        ],
        out_specs=pl.BlockSpec((_RB, NCLASS), lambda i: (i, 0)),
        out_shape=jax.ShapeDtypeStruct((N_NODES, NCLASS), jnp.float32),
    )(p0, p1, z, dis, W, b2d)


def kernel(x, adj, W, b):
    row = adj[0].astype(jnp.int32)
    col = adj[1].astype(jnp.int32)

    pad = E_PAD - N_EDGES
    colp = jnp.concatenate(
        [col, jnp.full((pad,), TRASH, jnp.int32)]).reshape(NBLK_PAD, BLK)
    rowp = jnp.concatenate(
        [row, jnp.zeros((pad,), jnp.int32)]).reshape(NBLK_PAD, BLK)

    cnt = _sc_degree(colp)
    c0 = cnt[0, :N_NODES].reshape(N_NODES, 1)
    c1 = cnt[1, :N_NODES].reshape(N_NODES, 1)

    z, dis = _tc_prep(x, c0, c1)

    p = _sc_spmm(rowp, colp, z)

    return _tc_final(p[0, :N_NODES], p[1, :N_NODES], z, dis,
                     W, b.reshape(1, NCLASS))

# --- scband reference (transcript-rebuilt; emitter-appended) ---
"""Pipeline reference for scband-stand-gcn1-15839839387789 (READ-ONLY COPY).

The authoritative reference and input builder live on the scoring server;
editing this copy changes nothing except your own understanding.
"""

import jax, jax.numpy as jnp
import numpy as np

N_NODES = 10000
N_EDGES = 320000
NFEAT = 128
NCLASS = 16

def setup_inputs(seed: int = 0) -> dict:
    key = jax.random.key(seed)
    k1, k2, k3, k4 = jax.random.split(key, 4)
    x = jax.random.normal(k1, (N_NODES, NFEAT), dtype=jnp.float32)
    adj = jax.random.randint(k2, (2, N_EDGES), 0, N_NODES, dtype=jnp.int64)
    # GCNConv learned params: glorot weight [nfeat, nclass], zero bias [nclass]
    limit = float(np.sqrt(6.0 / (NFEAT + NCLASS)))
    W = jax.random.uniform(k3, (NFEAT, NCLASS), dtype=jnp.float32, minval=-limit, maxval=limit)
    b = jnp.zeros((NCLASS,), dtype=jnp.float32)
    return {"x": x, "adj": adj, "W": W, "b": b}

def reference(x, adj, W, b):
    # Faithful PyG GCNConv: add self-loops, symmetric gcn_norm, linear, scatter-add, bias
    N = x.shape[0]
    loop = jnp.arange(N, dtype=adj.dtype)
    row = jnp.concatenate([adj[0], loop])
    col = jnp.concatenate([adj[1], loop])
    ew = jnp.ones(row.shape[0], dtype=jnp.float32)
    deg = jnp.zeros((N,), dtype=jnp.float32).at[col].add(ew)
    deg_inv_sqrt = jnp.where(deg > 0, deg ** -0.5, 0.0)
    norm = deg_inv_sqrt[row] * ew * deg_inv_sqrt[col]
    xt = x @ W
    msg = xt[row] * norm[:, None]
    out = jnp.zeros((N, xt.shape[1]), dtype=jnp.float32).at[col].add(msg)
    out = out + b
    return out

if __name__ == "__main__":
    import jax
    _d = setup_inputs()
    print(jax.jit(kernel)(*tuple(_d.values())))

</pallas_src>

<mosaic_0001>
#map = affine_map<(d0, d1) -> (0, 0)>
module attributes {stable_mosaic.version = 14 : i64} {
  func.func @_sc_degree(%arg0: i32, %arg1: i32, %arg2: memref<2560x128xi32, #tpu.memory_space<hbm>>, %arg3: memref<2x10240xf32, #tpu.memory_space<hbm>>, %arg4: memref<80x128xi32, #tpu.memory_space<vmem>>, %arg5: memref<128xf32, #tpu.memory_space<vmem>>, %arg6: memref<640xf32, #tpu.memory_space<vmem>>, %arg7: memref<10240xf32, #tpu.memory_space<vmem_shared>>) attributes {dimension_semantics = [#tpu.dimension_semantics<core_parallel>, #tpu.dimension_semantics<subcore_parallel>], iteration_bounds = array<i64: 2, 16>, scalar_prefetch = 0 : i64, scratch_operands = 4 : i64, tpu.core_type = #tpu.core_type<sc_vector_subcore>, window_params = [{transform_indices = #map}, {transform_indices = #map}]} {
    %mul3A = arith.constant 16 : i32
    %mul3A_0 = arith.muli %arg0, %mul3A : i32
    %add3A = arith.addi %mul3A_0, %arg1 : i32
    %scan3A = arith.constant 0 : i32
    %scan3A_1 = arith.constant 8 : i32
    %scan3A_2 = arith.addi %scan3A, %scan3A_1 : i32
    %scan3A_3 = arith.constant 1 : i32
    scf.for %scan3A_24 = %scan3A to %scan3A_2 step %scan3A_3  : i32 {
      %broadcast_in_dim3A = arith.constant 1.000000e+00 : f32
      %broadcast_in_dim3A_25 = vector.broadcast %broadcast_in_dim3A : f32 to vector<16xf32>
      %mul3A_26 = arith.constant 16 : i32
      %mul3A_27 = arith.muli %scan3A_24, %mul3A_26 : i32
      %swap3A = arith.index_cast %mul3A_27 : i32 to index
      %swap3A_28 = tpu.vector_load %arg5[%swap3A] {strides = array<i32>} : memref<128xf32, #tpu.memory_space<vmem>>, vector<16xf32>,
      %swap3A_29 = vector.shape_cast %swap3A_28 : vector<16xf32> to vector<16xf32>
      %swap3A_30 = vector.shape_cast %broadcast_in_dim3A_25 : vector<16xf32> to vector<16xf32>
      tpu.vector_store %arg5[%swap3A], %swap3A_30 {strides = array<i32>} : memref<128xf32, #tpu.memory_space<vmem>>, vector<16xf32>,
    }
    %scan3A_4 = arith.constant 8 : i32
    %scan3A_5 = arith.constant 0 : i32
    %scan3A_6 = arith.constant 40 : i32
    %scan3A_7 = arith.addi %scan3A_5, %scan3A_6 : i32
    %scan3A_8 = arith.constant 1 : i32
    scf.for %scan3A_24 = %scan3A_5 to %scan3A_7 step %scan3A_8  : i32 {
      %broadcast_in_dim3A = arith.constant 0.000000e+00 : f32
      %broadcast_in_dim3A_25 = vector.broadcast %broadcast_in_dim3A : f32 to vector<16xf32>
      %mul3A_26 = arith.constant 16 : i32
      %mul3A_27 = arith.muli %scan3A_24, %mul3A_26 : i32
      %swap3A = arith.index_cast %mul3A_27 : i32 to index
      %swap3A_28 = tpu.vector_load %arg6[%swap3A] {strides = array<i32>} : memref<640xf32, #tpu.memory_space<vmem>>, vector<16xf32>,
      %swap3A_29 = vector.shape_cast %swap3A_28 : vector<16xf32> to vector<16xf32>
      %swap3A_30 = vector.shape_cast %broadcast_in_dim3A_25 : vector<16xf32> to vector<16xf32>
      tpu.vector_store %arg6[%swap3A], %swap3A_30 {strides = array<i32>} : memref<640xf32, #tpu.memory_space<vmem>>, vector<16xf32>,
    }
    %scan3A_9 = arith.constant 40 : i32
    %mul3A_10 = arith.constant 640 : i32
    %mul3A_11 = arith.muli %arg1, %mul3A_10 : i32
    "tpu.region"() ({
      %run_scoped3A = tpu.sem_alloc : memref<!tpu.dma_semaphore, #tpu.memory_space<semaphore_mem>>
      %dma_start3A = tpu.memref_slice %arg7[%mul3A_11] : memref<10240xf32, #tpu.memory_space<vmem_shared>> -> memref<640xf32, #tpu.memory_space<vmem_shared>>
      %dma_start3A_24 = tpu.memref_slice %arg7[%mul3A_11] : memref<10240xf32, #tpu.memory_space<vmem_shared>> -> memref<640xf32, #tpu.memory_space<vmem_shared>>
      tpu.enqueue_dma source(%arg6 : memref<640xf32, #tpu.memory_space<vmem>>) target(%dma_start3A_24 : memref<640xf32, #tpu.memory_space<vmem_shared>>) target_semaphore(%run_scoped3A : memref<!tpu.dma_semaphore, #tpu.memory_space<semaphore_mem>>)
      %dma_wait3A = tpu.memref_slice %arg7[%mul3A_11] : memref<10240xf32, #tpu.memory_space<vmem_shared>> -> memref<640xf32, #tpu.memory_space<vmem_shared>>
      %dma_wait3A_25 = tpu.memref_slice %arg7[%mul3A_11] : memref<10240xf32, #tpu.memory_space<vmem_shared>> -> memref<640xf32, #tpu.memory_space<vmem_shared>>
      tpu.wait_dma2 semaphore(%run_scoped3A : memref<!tpu.dma_semaphore, #tpu.memory_space<semaphore_mem>>) src(%arg6 : memref<640xf32, #tpu.memory_space<vmem>>) dst(%dma_wait3A_25 : memref<640xf32, #tpu.memory_space<vmem_shared>>)
      tpu.yield
    }) : () -> ()
    %barrier3A = arith.constant 0 : index
    tpu.barrier barrier_id(%barrier3A)
    %mul3A_12 = arith.constant 80 : i32
    %mul3A_13 = arith.muli %add3A, %mul3A_12 : i32
    "tpu.region"() ({
      %run_scoped3A = tpu.sem_alloc : memref<!tpu.dma_semaphore, #tpu.memory_space<semaphore_mem>>
      %dma_start3A = arith.constant 0 : i32
      %dma_start3A_24 = tpu.memref_slice %arg2[%mul3A_13, %dma_start3A] : memref<2560x128xi32, #tpu.memory_space<hbm>> -> memref<80x128xi32, #tpu.memory_space<hbm>>
      %dma_start3A_25 = arith.constant 0 : i32
      %dma_start3A_26 = tpu.memref_slice %arg2[%mul3A_13, %dma_start3A_25] : memref<2560x128xi32, #tpu.memory_space<hbm>> -> memref<80x128xi32, #tpu.memory_space<hbm>>
      tpu.enqueue_dma source(%dma_start3A_26 : memref<80x128xi32, #tpu.memory_space<hbm>>) target(%arg4 : memref<80x128xi32, #tpu.memory_space<vmem>>) target_semaphore(%run_scoped3A : memref<!tpu.dma_semaphore, #tpu.memory_space<semaphore_mem>>)
      %dma_wait3A = arith.constant 0 : i32
      %dma_wait3A_27 = tpu.memref_slice %arg2[%mul3A_13, %dma_wait3A] : memref<2560x128xi32, #tpu.memory_space<hbm>> -> memref<80x128xi32, #tpu.memory_space<hbm>>
      %dma_wait3A_28 = arith.constant 0 : i32
      %dma_wait3A_29 = tpu.memref_slice %arg2[%mul3A_13, %dma_wait3A_28] : memref<2560x128xi32, #tpu.memory_space<hbm>> -> memref<80x128xi32, #tpu.memory_space<hbm>>
      tpu.wait_dma2 semaphore(%run_scoped3A : memref<!tpu.dma_semaphore, #tpu.memory_space<semaphore_mem>>) src(%dma_wait3A_29 : memref<80x128xi32, #tpu.memory_space<hbm>>) dst(%arg4 : memref<80x128xi32, #tpu.memory_space<vmem>>)
      tpu.yield
    }) : () -> ()
    %scan3A_14 = arith.constant 0 : i32
    %scan3A_15 = arith.constant 80 : i32
    %scan3A_16 = arith.addi %scan3A_14, %scan3A_15 : i32
    %scan3A_17 = arith.constant 1 : i32
    scf.for %scan3A_24 = %scan3A_14 to %scan3A_16 step %scan3A_17  : i32 {
      "tpu.region"() ({
        %run_scoped3A = tpu.sem_alloc : memref<!tpu.dma_semaphore, #tpu.memory_space<semaphore_mem>>
        %dma_start3A = arith.constant 0 : i32
        %dma_start3A_25 = tpu.memref_slice %arg4[%scan3A_24, %dma_start3A] : memref<80x128xi32, #tpu.memory_space<vmem>> -> memref<1x128xi32, #tpu.memory_space<vmem>>
        %dma_start3A_26 = tpu.memref_squeeze %dma_start3A_25 : memref<1x128xi32, #tpu.memory_space<vmem>> -> memref<128xi32, #tpu.memory_space<vmem>>
        %dma_start3A_27 = arith.constant 0 : i32
        %dma_start3A_28 = tpu.memref_slice %arg7[%dma_start3A_27] : memref<10240xf32, #tpu.memory_space<vmem_shared>> -> memref<10240xf32, #tpu.memory_space<vmem_shared>>
        tpu.enqueue_indirect_dma source(%arg5 : memref<128xf32, #tpu.memory_space<vmem>>) target(%dma_start3A_28 : memref<10240xf32, #tpu.memory_space<vmem_shared>>) offsets(%dma_start3A_26 : memref<128xi32, #tpu.memory_space<vmem>>) semaphore(%run_scoped3A : memref<!tpu.dma_semaphore, #tpu.memory_space<semaphore_mem>>) {add = true}
        %dma_wait3A = arith.constant 0 : i32
        %dma_wait3A_29 = tpu.memref_slice %arg4[%scan3A_24, %dma_wait3A] : memref<80x128xi32, #tpu.memory_space<vmem>> -> memref<1x128xi32, #tpu.memory_space<vmem>>
        %dma_wait3A_30 = tpu.memref_squeeze %dma_wait3A_29 : memref<1x128xi32, #tpu.memory_space<vmem>> -> memref<128xi32, #tpu.memory_space<vmem>>
        %dma_wait3A_31 = arith.constant 0 : i32
        %dma_wait3A_32 = tpu.memref_slice %arg7[%dma_wait3A_31] : memref<10240xf32, #tpu.memory_space<vmem_shared>> -> memref<10240xf32, #tpu.memory_space<vmem_shared>>
        tpu.wait_indirect_dma semaphore(%run_scoped3A : memref<!tpu.dma_semaphore, #tpu.memory_space<semaphore_mem>>) src(%arg5 : memref<128xf32, #tpu.memory_space<vmem>>) dst(%dma_wait3A_32 : memref<10240xf32, #tpu.memory_space<vmem_shared>>)
        tpu.yield
      }) : () -> ()
    }
    %scan3A_18 = arith.constant 80 : i32
    %barrier3A_19 = arith.constant 0 : index
    tpu.barrier barrier_id(%barrier3A_19)
    %mul3A_20 = arith.constant 640 : i32
    %mul3A_21 = arith.muli %arg1, %mul3A_20 : i32
    "tpu.region"() ({
      %run_scoped3A = tpu.sem_alloc : memref<!tpu.dma_semaphore, #tpu.memory_space<semaphore_mem>>
      %dma_start3A = tpu.memref_slice %arg7[%mul3A_21] : memref<10240xf32, #tpu.memory_space<vmem_shared>> -> memref<640xf32, #tpu.memory_space<vmem_shared>>
      %dma_start3A_24 = tpu.memref_slice %arg7[%mul3A_21] : memref<10240xf32, #tpu.memory_space<vmem_shared>> -> memref<640xf32, #tpu.memory_space<vmem_shared>>
      tpu.enqueue_dma source(%dma_start3A_24 : memref<640xf32, #tpu.memory_space<vmem_shared>>) target(%arg6 : memref<640xf32, #tpu.memory_space<vmem>>) target_semaphore(%run_scoped3A : memref<!tpu.dma_semaphore, #tpu.memory_space<semaphore_mem>>)
      %dma_wait3A = tpu.memref_slice %arg7[%mul3A_21] : memref<10240xf32, #tpu.memory_space<vmem_shared>> -> memref<640xf32, #tpu.memory_space<vmem_shared>>
      %dma_wait3A_25 = tpu.memref_slice %arg7[%mul3A_21] : memref<10240xf32, #tpu.memory_space<vmem_shared>> -> memref<640xf32, #tpu.memory_space<vmem_shared>>
      tpu.wait_dma2 semaphore(%run_scoped3A : memref<!tpu.dma_semaphore, #tpu.memory_space<semaphore_mem>>) src(%dma_wait3A_25 : memref<640xf32, #tpu.memory_space<vmem_shared>>) dst(%arg6 : memref<640xf32, #tpu.memory_space<vmem>>)
      tpu.yield
    }) : () -> ()
    %mul3A_22 = arith.constant 640 : i32
    %mul3A_23 = arith.muli %arg1, %mul3A_22 : i32
    "tpu.region"() ({
      %run_scoped3A = tpu.sem_alloc : memref<!tpu.dma_semaphore, #tpu.memory_space<semaphore_mem>>
      %dma_start3A = tpu.memref_slice %arg3[%arg0, %mul3A_23] : memref<2x10240xf32, #tpu.memory_space<hbm>> -> memref<1x640xf32, #tpu.memory_space<hbm>>
      %dma_start3A_24 = tpu.memref_squeeze %dma_start3A : memref<1x640xf32, #tpu.memory_space<hbm>> -> memref<640xf32, #tpu.memory_space<hbm>>
      %dma_start3A_25 = tpu.memref_slice %arg3[%arg0, %mul3A_23] : memref<2x10240xf32, #tpu.memory_space<hbm>> -> memref<1x640xf32, #tpu.memory_space<hbm>>
      %dma_start3A_26 = tpu.memref_squeeze %dma_start3A_25 : memref<1x640xf32, #tpu.memory_space<hbm>> -> memref<640xf32, #tpu.memory_space<hbm>>
      tpu.enqueue_dma source(%arg6 : memref<640xf32, #tpu.memory_space<vmem>>) target(%dma_start3A_26 : memref<640xf32, #tpu.memory_space<hbm>>) target_semaphore(%run_scoped3A : memref<!tpu.dma_semaphore, #tpu.memory_space<semaphore_mem>>)
      %dma_wait3A = tpu.memref_slice %arg3[%arg0, %mul3A_23] : memref<2x10240xf32, #tpu.memory_space<hbm>> -> memref<1x640xf32, #tpu.memory_space<hbm>>
      %dma_wait3A_27 = tpu.memref_squeeze %dma_wait3A : memref<1x640xf32, #tpu.memory_space<hbm>> -> memref<640xf32, #tpu.memory_space<hbm>>
      %dma_wait3A_28 = tpu.memref_slice %arg3[%arg0, %mul3A_23] : memref<2x10240xf32, #tpu.memory_space<hbm>> -> memref<1x640xf32, #tpu.memory_space<hbm>>
      %dma_wait3A_29 = tpu.memref_squeeze %dma_wait3A_28 : memref<1x640xf32, #tpu.memory_space<hbm>> -> memref<640xf32, #tpu.memory_space<hbm>>
      tpu.wait_dma2 semaphore(%run_scoped3A : memref<!tpu.dma_semaphore, #tpu.memory_space<semaphore_mem>>) src(%arg6 : memref<640xf32, #tpu.memory_space<vmem>>) dst(%dma_wait3A_29 : memref<640xf32, #tpu.memory_space<hbm>>)
      tpu.yield
    }) : () -> ()
    return
  }
}

#map = affine_map<(d0, d1) -> (0, 0)>
#map1 = affine_map<(d0, d1) -> (0, 0, 0)>
module attributes {stable_mosaic.version = 14 : i64} {
  func.func @_sc_spmm(%arg0: i32, %arg1: i32, %arg2: memref<2560x128xi32, #tpu.memory_space<hbm>>, %arg3: memref<2560x128xi32, #tpu.memory_space<hbm>>, %arg4: memref<10000x128xf32, #tpu.memory_space<hbm>>, %arg5: memref<2x10240x128xf32, #tpu.memory_space<hbm>>, %arg6: memref<80x128xi32, #tpu.memory_space<vmem>>, %arg7: memref<80x128xi32, #tpu.memory_space<vmem>>, %arg8: memref<128x128xf32, #tpu.memory_space<vmem>>, %arg9: memref<64x128xf32, #tpu.memory_space<vmem>>, %arg10: memref<10240x128xf32, #tpu.memory_space<vmem_shared>>, %arg11: memref<!tpu.dma_semaphore, #tpu.memory_space<semaphore_mem>>) attributes {dimension_semantics = [#tpu.dimension_semantics<core_parallel>, #tpu.dimension_semantics<subcore_parallel>], iteration_bounds = array<i64: 2, 16>, scalar_prefetch = 0 : i64, scratch_operands = 6 : i64, tpu.core_type = #tpu.core_type<sc_vector_subcore>, window_params = [{transform_indices = #map}, {transform_indices = #map}, {transform_indices = #map}, {transform_indices = #map1}]} {
    %mul3A = arith.constant 16 : i32
    %mul3A_0 = arith.muli %arg0, %mul3A : i32
    %add3A = arith.addi %mul3A_0, %arg1 : i32
    %scan3A = arith.constant 0 : i32
    %scan3A_1 = arith.constant 64 : i32
    %scan3A_2 = arith.addi %scan3A, %scan3A_1 : i32
    %scan3A_3 = arith.constant 1 : i32
    scf.for %scan3A_25 = %scan3A to %scan3A_2 step %scan3A_3  : i32 {
      %scan3A_26 = arith.constant 0 : i32
      %scan3A_27 = arith.constant 8 : i32
      %scan3A_28 = arith.addi %scan3A_26, %scan3A_27 : i32
      %scan3A_29 = arith.constant 1 : i32
      scf.for %scan3A_31 = %scan3A_26 to %scan3A_28 step %scan3A_29  : i32 {
        %broadcast_in_dim3A = arith.constant 0.000000e+00 : f32
        %broadcast_in_dim3A_32 = vector.broadcast %broadcast_in_dim3A : f32 to vector<16xf32>
        %mul3A_33 = arith.constant 16 : i32
        %mul3A_34 = arith.muli %scan3A_31, %mul3A_33 : i32
        %swap3A = arith.index_cast %scan3A_25 : i32 to index
        %swap3A_35 = arith.index_cast %mul3A_34 : i32 to index
        %swap3A_36 = tpu.vector_load %arg9[%swap3A, %swap3A_35] {strides = array<i32>} : memref<64x128xf32, #tpu.memory_space<vmem>>, vector<1x16xf32>,
        %swap3A_37 = vector.shape_cast %swap3A_36 : vector<1x16xf32> to vector<16xf32>
        %swap3A_38 = vector.shape_cast %broadcast_in_dim3A_32 : vector<16xf32> to vector<1x16xf32>
        tpu.vector_store %arg9[%swap3A, %swap3A_35], %swap3A_38 {strides = array<i32>} : memref<64x128xf32, #tpu.memory_space<vmem>>, vector<1x16xf32>,
      }
      %scan3A_30 = arith.constant 8 : i32
    }
    %scan3A_4 = arith.constant 64 : i32
    %scan3A_5 = arith.constant 0 : i32
    %scan3A_6 = arith.constant 10 : i32
    %scan3A_7 = arith.addi %scan3A_5, %scan3A_6 : i32
    %scan3A_8 = arith.constant 1 : i32
    scf.for %scan3A_25 = %scan3A_5 to %scan3A_7 step %scan3A_8  : i32 {
      %mul3A_26 = arith.constant 640 : i32
      %mul3A_27 = arith.muli %arg1, %mul3A_26 : i32
      %mul3A_28 = arith.constant 64 : i32
      %mul3A_29 = arith.muli %scan3A_25, %mul3A_28 : i32
      %add3A_30 = arith.addi %mul3A_27, %mul3A_29 : i32
      "tpu.region"() ({
        %run_scoped3A = tpu.sem_alloc : memref<!tpu.dma_semaphore, #tpu.memory_space<semaphore_mem>>
        %dma_start3A = arith.constant 0 : i32
        %dma_start3A_31 = tpu.memref_slice %arg10[%add3A_30, %dma_start3A] : memref<10240x128xf32, #tpu.memory_space<vmem_shared>> -> memref<64x128xf32, #tpu.memory_space<vmem_shared>>
        %dma_start3A_32 = arith.constant 0 : i32
        %dma_start3A_33 = tpu.memref_slice %arg10[%add3A_30, %dma_start3A_32] : memref<10240x128xf32, #tpu.memory_space<vmem_shared>> -> memref<64x128xf32, #tpu.memory_space<vmem_shared>>
        tpu.enqueue_dma source(%arg9 : memref<64x128xf32, #tpu.memory_space<vmem>>) target(%dma_start3A_33 : memref<64x128xf32, #tpu.memory_space<vmem_shared>>) target_semaphore(%run_scoped3A : memref<!tpu.dma_semaphore, #tpu.memory_space<semaphore_mem>>)
        %dma_wait3A = arith.constant 0 : i32
        %dma_wait3A_34 = tpu.memref_slice %arg10[%add3A_30, %dma_wait3A] : memref<10240x128xf32, #tpu.memory_space<vmem_shared>> -> memref<64x128xf32, #tpu.memory_space<vmem_shared>>
        %dma_wait3A_35 = arith.constant 0 : i32
        %dma_wait3A_36 = tpu.memref_slice %arg10[%add3A_30, %dma_wait3A_35] : memref<10240x128xf32, #tpu.memory_space<vmem_shared>> -> memref<64x128xf32, #tpu.memory_space<vmem_shared>>
        tpu.wait_dma2 semaphore(%run_scoped3A : memref<!tpu.dma_semaphore, #tpu.memory_space<semaphore_mem>>) src(%arg9 : memref<64x128xf32, #tpu.memory_space<vmem>>) dst(%dma_wait3A_36 : memref<64x128xf32, #tpu.memory_space<vmem_shared>>)
        tpu.yield
      }) : () -> ()
    }
    %scan3A_9 = arith.constant 10 : i32
    %barrier3A = arith.constant 0 : index
    tpu.barrier barrier_id(%barrier3A)
    %mul3A_10 = arith.constant 80 : i32
    %mul3A_11 = arith.muli %add3A, %mul3A_10 : i32
    "tpu.region"() ({
      %run_scoped3A = tpu.sem_alloc : memref<!tpu.dma_semaphore, #tpu.memory_space<semaphore_mem>>
      %dma_start3A = arith.constant 0 : i32
      %dma_start3A_25 = tpu.memref_slice %arg2[%mul3A_11, %dma_start3A] : memref<2560x128xi32, #tpu.memory_space<hbm>> -> memref<80x128xi32, #tpu.memory_space<hbm>>
      %dma_start3A_26 = arith.constant 0 : i32
      %dma_start3A_27 = tpu.memref_slice %arg2[%mul3A_11, %dma_start3A_26] : memref<2560x128xi32, #tpu.memory_space<hbm>> -> memref<80x128xi32, #tpu.memory_space<hbm>>
      tpu.enqueue_dma source(%dma_start3A_27 : memref<80x128xi32, #tpu.memory_space<hbm>>) target(%arg6 : memref<80x128xi32, #tpu.memory_space<vmem>>) target_semaphore(%run_scoped3A : memref<!tpu.dma_semaphore, #tpu.memory_space<semaphore_mem>>)
      %dma_wait3A = arith.constant 0 : i32
      %dma_wait3A_28 = tpu.memref_slice %arg2[%mul3A_11, %dma_wait3A] : memref<2560x128xi32, #tpu.memory_space<hbm>> -> memref<80x128xi32, #tpu.memory_space<hbm>>
      %dma_wait3A_29 = arith.constant 0 : i32
      %dma_wait3A_30 = tpu.memref_slice %arg2[%mul3A_11, %dma_wait3A_29] : memref<2560x128xi32, #tpu.memory_space<hbm>> -> memref<80x128xi32, #tpu.memory_space<hbm>>
      tpu.wait_dma2 semaphore(%run_scoped3A : memref<!tpu.dma_semaphore, #tpu.memory_space<semaphore_mem>>) src(%dma_wait3A_30 : memref<80x128xi32, #tpu.memory_space<hbm>>) dst(%arg6 : memref<80x128xi32, #tpu.memory_space<vmem>>)
      tpu.yield
    }) : () -> ()
    %mul3A_12 = arith.constant 80 : i32
    %mul3A_13 = arith.muli %add3A, %mul3A_12 : i32
    "tpu.region"() ({
      %run_scoped3A = tpu.sem_alloc : memref<!tpu.dma_semaphore, #tpu.memory_space<semaphore_mem>>
      %dma_start3A = arith.constant 0 : i32
      %dma_start3A_25 = tpu.memref_slice %arg3[%mul3A_13, %dma_start3A] : memref<2560x128xi32, #tpu.memory_space<hbm>> -> memref<80x128xi32, #tpu.memory_space<hbm>>
      %dma_start3A_26 = arith.constant 0 : i32
      %dma_start3A_27 = tpu.memref_slice %arg3[%mul3A_13, %dma_start3A_26] : memref<2560x128xi32, #tpu.memory_space<hbm>> -> memref<80x128xi32, #tpu.memory_space<hbm>>
      tpu.enqueue_dma source(%dma_start3A_27 : memref<80x128xi32, #tpu.memory_space<hbm>>) target(%arg7 : memref<80x128xi32, #tpu.memory_space<vmem>>) target_semaphore(%run_scoped3A : memref<!tpu.dma_semaphore, #tpu.memory_space<semaphore_mem>>)
      %dma_wait3A = arith.constant 0 : i32
      %dma_wait3A_28 = tpu.memref_slice %arg3[%mul3A_13, %dma_wait3A] : memref<2560x128xi32, #tpu.memory_space<hbm>> -> memref<80x128xi32, #tpu.memory_space<hbm>>
      %dma_wait3A_29 = arith.constant 0 : i32
      %dma_wait3A_30 = tpu.memref_slice %arg3[%mul3A_13, %dma_wait3A_29] : memref<2560x128xi32, #tpu.memory_space<hbm>> -> memref<80x128xi32, #tpu.memory_space<hbm>>
      tpu.wait_dma2 semaphore(%run_scoped3A : memref<!tpu.dma_semaphore, #tpu.memory_space<semaphore_mem>>) src(%dma_wait3A_30 : memref<80x128xi32, #tpu.memory_space<hbm>>) dst(%arg7 : memref<80x128xi32, #tpu.memory_space<vmem>>)
      tpu.yield
    }) : () -> ()
    %scan3A_14 = arith.constant 0 : i32
    %scan3A_15 = arith.constant 80 : i32
    %scan3A_16 = arith.addi %scan3A_14, %scan3A_15 : i32
    %scan3A_17 = arith.constant 1 : i32
    scf.for %scan3A_25 = %scan3A_14 to %scan3A_16 step %scan3A_17  : i32 {
      %dma_start3A = arith.constant 0 : i32
      %dma_start3A_26 = tpu.memref_slice %arg6[%scan3A_25, %dma_start3A] : memref<80x128xi32, #tpu.memory_space<vmem>> -> memref<1x128xi32, #tpu.memory_space<vmem>>
      %dma_start3A_27 = tpu.memref_squeeze %dma_start3A_26 : memref<1x128xi32, #tpu.memory_space<vmem>> -> memref<128xi32, #tpu.memory_space<vmem>>
      %dma_start3A_28 = arith.constant 0 : i32
      %dma_start3A_29 = arith.constant 0 : i32
      %dma_start3A_30 = tpu.memref_slice %arg4[%dma_start3A_28, %dma_start3A_29] : memref<10000x128xf32, #tpu.memory_space<hbm>> -> memref<10000x128xf32, #tpu.memory_space<hbm>>
      tpu.enqueue_indirect_dma source(%dma_start3A_30 : memref<10000x128xf32, #tpu.memory_space<hbm>>) target(%arg8 : memref<128x128xf32, #tpu.memory_space<vmem>>) offsets(%dma_start3A_27 : memref<128xi32, #tpu.memory_space<vmem>>) semaphore(%arg11 : memref<!tpu.dma_semaphore, #tpu.memory_space<semaphore_mem>>)
      %dma_wait3A = arith.constant 0 : i32
      %dma_wait3A_31 = tpu.memref_slice %arg6[%scan3A_25, %dma_wait3A] : memref<80x128xi32, #tpu.memory_space<vmem>> -> memref<1x128xi32, #tpu.memory_space<vmem>>
      %dma_wait3A_32 = tpu.memref_squeeze %dma_wait3A_31 : memref<1x128xi32, #tpu.memory_space<vmem>> -> memref<128xi32, #tpu.memory_space<vmem>>
      %dma_wait3A_33 = arith.constant 0 : i32
      %dma_wait3A_34 = arith.constant 0 : i32
      %dma_wait3A_35 = tpu.memref_slice %arg4[%dma_wait3A_33, %dma_wait3A_34] : memref<10000x128xf32, #tpu.memory_space<hbm>> -> memref<10000x128xf32, #tpu.memory_space<hbm>>
      tpu.wait_indirect_dma semaphore(%arg11 : memref<!tpu.dma_semaphore, #tpu.memory_space<semaphore_mem>>) src(%dma_wait3A_35 : memref<10000x128xf32, #tpu.memory_space<hbm>>) dst(%arg8 : memref<128x128xf32, #tpu.memory_space<vmem>>)
      "tpu.region"() ({
        %run_scoped3A = tpu.sem_alloc : memref<!tpu.dma_semaphore, #tpu.memory_space<semaphore_mem>>
        %dma_start3A_36 = arith.constant 0 : i32
        %dma_start3A_37 = tpu.memref_slice %arg7[%scan3A_25, %dma_start3A_36] : memref<80x128xi32, #tpu.memory_space<vmem>> -> memref<1x128xi32, #tpu.memory_space<vmem>>
        %dma_start3A_38 = tpu.memref_squeeze %dma_start3A_37 : memref<1x128xi32, #tpu.memory_space<vmem>> -> memref<128xi32, #tpu.memory_space<vmem>>
        %dma_start3A_39 = arith.constant 0 : i32
        %dma_start3A_40 = arith.constant 0 : i32
        %dma_start3A_41 = tpu.memref_slice %arg10[%dma_start3A_39, %dma_start3A_40] : memref<10240x128xf32, #tpu.memory_space<vmem_shared>> -> memref<10240x128xf32, #tpu.memory_space<vmem_shared>>
        tpu.enqueue_indirect_dma source(%arg8 : memref<128x128xf32, #tpu.memory_space<vmem>>) target(%dma_start3A_41 : memref<10240x128xf32, #tpu.memory_space<vmem_shared>>) offsets(%dma_start3A_38 : memref<128xi32, #tpu.memory_space<vmem>>) semaphore(%run_scoped3A : memref<!tpu.dma_semaphore, #tpu.memory_space<semaphore_mem>>) {add = true}
        %dma_wait3A_42 = arith.constant 0 : i32
        %dma_wait3A_43 = tpu.memref_slice %arg7[%scan3A_25, %dma_wait3A_42] : memref<80x128xi32, #tpu.memory_space<vmem>> -> memref<1x128xi32, #tpu.memory_space<vmem>>
        %dma_wait3A_44 = tpu.memref_squeeze %dma_wait3A_43 : memref<1x128xi32, #tpu.memory_space<vmem>> -> memref<128xi32, #tpu.memory_space<vmem>>
        %dma_wait3A_45 = arith.constant 0 : i32
        %dma_wait3A_46 = arith.constant 0 : i32
        %dma_wait3A_47 = tpu.memref_slice %arg10[%dma_wait3A_45, %dma_wait3A_46] : memref<10240x128xf32, #tpu.memory_space<vmem_shared>> -> memref<10240x128xf32, #tpu.memory_space<vmem_shared>>
        tpu.wait_indirect_dma semaphore(%run_scoped3A : memref<!tpu.dma_semaphore, #tpu.memory_space<semaphore_mem>>) src(%arg8 : memref<128x128xf32, #tpu.memory_space<vmem>>) dst(%dma_wait3A_47 : memref<10240x128xf32, #tpu.memory_space<vmem_shared>>)
        tpu.yield
      }) : () -> ()
    }
    %scan3A_18 = arith.constant 80 : i32
    %barrier3A_19 = arith.constant 0 : index
    tpu.barrier barrier_id(%barrier3A_19)
    %scan3A_20 = arith.constant 0 : i32
    %scan3A_21 = arith.constant 10 : i32
    %scan3A_22 = arith.addi %scan3A_20, %scan3A_21 : i32
    %scan3A_23 = arith.constant 1 : i32
    scf.for %scan3A_25 = %scan3A_20 to %scan3A_22 step %scan3A_23  : i32 {
      %mul3A_26 = arith.constant 640 : i32
      %mul3A_27 = arith.muli %arg1, %mul3A_26 : i32
      %mul3A_28 = arith.constant 64 : i32
      %mul3A_29 = arith.muli %scan3A_25, %mul3A_28 : i32
      %add3A_30 = arith.addi %mul3A_27, %mul3A_29 : i32
      "tpu.region"() ({
        %run_scoped3A = tpu.sem_alloc : memref<!tpu.dma_semaphore, #tpu.memory_space<semaphore_mem>>
        %dma_start3A = arith.constant 0 : i32
        %dma_start3A_31 = tpu.memref_slice %arg10[%add3A_30, %dma_start3A] : memref<10240x128xf32, #tpu.memory_space<vmem_shared>> -> memref<64x128xf32, #tpu.memory_space<vmem_shared>>
        %dma_start3A_32 = arith.constant 0 : i32
        %dma_start3A_33 = tpu.memref_slice %arg10[%add3A_30, %dma_start3A_32] : memref<10240x128xf32, #tpu.memory_space<vmem_shared>> -> memref<64x128xf32, #tpu.memory_space<vmem_shared>>
        tpu.enqueue_dma source(%dma_start3A_33 : memref<64x128xf32, #tpu.memory_space<vmem_shared>>) target(%arg9 : memref<64x128xf32, #tpu.memory_space<vmem>>) target_semaphore(%run_scoped3A : memref<!tpu.dma_semaphore, #tpu.memory_space<semaphore_mem>>)
        %dma_wait3A = arith.constant 0 : i32
        %dma_wait3A_34 = tpu.memref_slice %arg10[%add3A_30, %dma_wait3A] : memref<10240x128xf32, #tpu.memory_space<vmem_shared>> -> memref<64x128xf32, #tpu.memory_space<vmem_shared>>
        %dma_wait3A_35 = arith.constant 0 : i32
        %dma_wait3A_36 = tpu.memref_slice %arg10[%add3A_30, %dma_wait3A_35] : memref<10240x128xf32, #tpu.memory_space<vmem_shared>> -> memref<64x128xf32, #tpu.memory_space<vmem_shared>>
        tpu.wait_dma2 semaphore(%run_scoped3A : memref<!tpu.dma_semaphore, #tpu.memory_space<semaphore_mem>>) src(%dma_wait3A_36 : memref<64x128xf32, #tpu.memory_space<vmem_shared>>) dst(%arg9 : memref<64x128xf32, #tpu.memory_space<vmem>>)
        tpu.yield
      }) : () -> ()
      "tpu.region"() ({
        %run_scoped3A = tpu.sem_alloc : memref<!tpu.dma_semaphore, #tpu.memory_space<semaphore_mem>>
        %dma_start3A = arith.constant 0 : i32
        %dma_start3A_31 = tpu.memref_slice %arg5[%arg0, %add3A_30, %dma_start3A] : memref<2x10240x128xf32, #tpu.memory_space<hbm>> -> memref<1x64x128xf32, #tpu.memory_space<hbm>>
        %dma_start3A_32 = tpu.memref_squeeze %dma_start3A_31 : memref<1x64x128xf32, #tpu.memory_space<hbm>> -> memref<64x128xf32, #tpu.memory_space<hbm>>
        %dma_start3A_33 = arith.constant 0 : i32
        %dma_start3A_34 = tpu.memref_slice %arg5[%arg0, %add3A_30, %dma_start3A_33] : memref<2x10240x128xf32, #tpu.memory_space<hbm>> -> memref<1x64x128xf32, #tpu.memory_space<hbm>>
        %dma_start3A_35 = tpu.memref_squeeze %dma_start3A_34 : memref<1x64x128xf32, #tpu.memory_space<hbm>> -> memref<64x128xf32, #tpu.memory_space<hbm>>
        tpu.enqueue_dma source(%arg9 : memref<64x128xf32, #tpu.memory_space<vmem>>) target(%dma_start3A_35 : memref<64x128xf32, #tpu.memory_space<hbm>>) target_semaphore(%run_scoped3A : memref<!tpu.dma_semaphore, #tpu.memory_space<semaphore_mem>>)
        %dma_wait3A = arith.constant 0 : i32
        %dma_wait3A_36 = tpu.memref_slice %arg5[%arg0, %add3A_30, %dma_wait3A] : memref<2x10240x128xf32, #tpu.memory_space<hbm>> -> memref<1x64x128xf32, #tpu.memory_space<hbm>>
        %dma_wait3A_37 = tpu.memref_squeeze %dma_wait3A_36 : memref<1x64x128xf32, #tpu.memory_space<hbm>> -> memref<64x128xf32, #tpu.memory_space<hbm>>
        %dma_wait3A_38 = arith.constant 0 : i32
        %dma_wait3A_39 = tpu.memref_slice %arg5[%arg0, %add3A_30, %dma_wait3A_38] : memref<2x10240x128xf32, #tpu.memory_space<hbm>> -> memref<1x64x128xf32, #tpu.memory_space<hbm>>
        %dma_wait3A_40 = tpu.memref_squeeze %dma_wait3A_39 : memref<1x64x128xf32, #tpu.memory_space<hbm>> -> memref<64x128xf32, #tpu.memory_space<hbm>>
        tpu.wait_dma2 semaphore(%run_scoped3A : memref<!tpu.dma_semaphore, #tpu.memory_space<semaphore_mem>>) src(%arg9 : memref<64x128xf32, #tpu.memory_space<vmem>>) dst(%dma_wait3A_40 : memref<64x128xf32, #tpu.memory_space<hbm>>)
        tpu.yield
      }) : () -> ()
    }
    %scan3A_24 = arith.constant 10 : i32
    return
  }
}

module attributes {stable_mosaic.version = 14 : i64} {
  func.func @_tc_prep_body(%arg0: i32, %arg1: memref<1000x128xf32, #tpu.memory_space<vmem>>, %arg2: memref<1000x1xf32, #tpu.memory_space<vmem>>, %arg3: memref<1000x1xf32, #tpu.memory_space<vmem>>, %arg4: memref<1000x128xf32, #tpu.memory_space<vmem>>, %arg5: memref<1000x1xf32, #tpu.memory_space<vmem>>) attributes {dimension_semantics = [#tpu.dimension_semantics<arbitrary>], iteration_bounds = array<i64: 10>, scalar_prefetch = 0 : i64, scratch_operands = 0 : i64, tpu.core_type = #tpu.core_type<tc>, window_params = [{transform_indices = @transform_0, window_bounds = array<i64: 1000, 128>}, {transform_indices = @transform_1, window_bounds = array<i64: 1000, 1>}, {transform_indices = @transform_2, window_bounds = array<i64: 1000, 1>}, {transform_indices = @transform_3, window_bounds = array<i64: 1000, 128>}, {transform_indices = @transform_4, window_bounds = array<i64: 1000, 1>}]} {
    %get3A = arith.constant 0 : index
    %get3A_0 = arith.constant 0 : index
    %get3A_1 = vector.load %arg2[%get3A, %get3A_0] : memref<1000x1xf32, #tpu.memory_space<vmem>>, vector<1000x1xf32>
    %get3A_2 = arith.constant 0 : index
    %get3A_3 = arith.constant 0 : index
    %get3A_4 = vector.load %arg3[%get3A_2, %get3A_3] : memref<1000x1xf32, #tpu.memory_space<vmem>>, vector<1000x1xf32>
    %add3A = arith.addf %get3A_1, %get3A_4 : vector<1000x1xf32>
    %add3A_5 = arith.constant 1.000000e+00 : f32
    %add3A_6 = vector.broadcast %add3A_5 : f32 to vector<1000x1xf32>
    %add3A_7 = arith.addf %add3A, %add3A_6 : vector<1000x1xf32>
    %rsqrt3A = math.rsqrt %add3A_7 : vector<1000x1xf32>
    %get3A_8 = arith.constant 0 : index
    %get3A_9 = arith.constant 0 : index
    %get3A_10 = vector.load %arg1[%get3A_8, %get3A_9] : memref<1000x128xf32, #tpu.memory_space<vmem>>, vector<1000x128xf32>
    %mul3A = vector.broadcast %rsqrt3A : vector<1000x1xf32> to vector<1000x128xf32>
    %mul3A_11 = arith.mulf %get3A_10, %mul3A : vector<1000x128xf32>
    %swap3A = arith.constant 0 : index
    %swap3A_12 = arith.constant 0 : index
    %swap3A_13 = vector.load %arg4[%swap3A, %swap3A_12] : memref<1000x128xf32, #tpu.memory_space<vmem>>, vector<1000x128xf32>
    tpu.vector_store %arg4[%swap3A, %swap3A_12], %mul3A_11 {strides = array<i32>} : memref<1000x128xf32, #tpu.memory_space<vmem>>, vector<1000x128xf32>,
    %swap3A_14 = arith.constant 0 : index
    %swap3A_15 = arith.constant 0 : index
    %swap3A_16 = vector.load %arg5[%swap3A_14, %swap3A_15] : memref<1000x1xf32, #tpu.memory_space<vmem>>, vector<1000x1xf32>
    tpu.vector_store %arg5[%swap3A_14, %swap3A_15], %rsqrt3A {strides = array<i32>} : memref<1000x1xf32, #tpu.memory_space<vmem>>, vector<1000x1xf32>,
    return
  }
  func.func @transform_0(%arg0: i32) -> (i32, i32) {
    %c0_i32 = arith.constant 0 : i32
    %c0_i32_0 = arith.constant 0 : i32
    return %arg0, %c0_i32 : i32, i32
  }
  func.func @transform_1(%arg0: i32) -> (i32, i32) {
    %c0_i32 = arith.constant 0 : i32
    %c0_i32_0 = arith.constant 0 : i32
    return %arg0, %c0_i32 : i32, i32
  }
  func.func @transform_2(%arg0: i32) -> (i32, i32) {
    %c0_i32 = arith.constant 0 : i32
    %c0_i32_0 = arith.constant 0 : i32
    return %arg0, %c0_i32 : i32, i32
  }
  func.func @transform_3(%arg0: i32) -> (i32, i32) {
    %c0_i32 = arith.constant 0 : i32
    %c0_i32_0 = arith.constant 0 : i32
    return %arg0, %c0_i32 : i32, i32
  }
  func.func @transform_4(%arg0: i32) -> (i32, i32) {
    %c0_i32 = arith.constant 0 : i32
    %c0_i32_0 = arith.constant 0 : i32
    return %arg0, %c0_i32 : i32, i32
  }
}

module attributes {stable_mosaic.version = 14 : i64} {
  func.func @_tc_final_body(%arg0: i32, %arg1: memref<1000x128xf32, #tpu.memory_space<vmem>>, %arg2: memref<1000x128xf32, #tpu.memory_space<vmem>>, %arg3: memref<1000x128xf32, #tpu.memory_space<vmem>>, %arg4: memref<1000x1xf32, #tpu.memory_space<vmem>>, %arg5: memref<128x16xf32, #tpu.memory_space<vmem>>, %arg6: memref<1x16xf32, #tpu.memory_space<vmem>>, %arg7: memref<1000x16xf32, #tpu.memory_space<vmem>>) attributes {dimension_semantics = [#tpu.dimension_semantics<arbitrary>], iteration_bounds = array<i64: 10>, scalar_prefetch = 0 : i64, scratch_operands = 0 : i64, tpu.core_type = #tpu.core_type<tc>, window_params = [{transform_indices = @transform_0, window_bounds = array<i64: 1000, 128>}, {transform_indices = @transform_1, window_bounds = array<i64: 1000, 128>}, {transform_indices = @transform_2, window_bounds = array<i64: 1000, 128>}, {transform_indices = @transform_3, window_bounds = array<i64: 1000, 1>}, {pipeline_mode = #tpu.pipeline_mode<synchronous>, transform_indices = @transform_4, window_bounds = array<i64: 128, 16>}, {pipeline_mode = #tpu.pipeline_mode<synchronous>, transform_indices = @transform_5, window_bounds = array<i64: 1, 16>}, {transform_indices = @transform_6, window_bounds = array<i64: 1000, 16>}]} {
    %get3A = arith.constant 0 : index
    %get3A_0 = arith.constant 0 : index
    %get3A_1 = vector.load %arg1[%get3A, %get3A_0] : memref<1000x128xf32, #tpu.memory_space<vmem>>, vector<1000x128xf32>
    %get3A_2 = arith.constant 0 : index
    %get3A_3 = arith.constant 0 : index
    %get3A_4 = vector.load %arg2[%get3A_2, %get3A_3] : memref<1000x128xf32, #tpu.memory_space<vmem>>, vector<1000x128xf32>
    %add3A = arith.addf %get3A_1, %get3A_4 : vector<1000x128xf32>
    %get3A_5 = arith.constant 0 : index
    %get3A_6 = arith.constant 0 : index
    %get3A_7 = vector.load %arg3[%get3A_5, %get3A_6] : memref<1000x128xf32, #tpu.memory_space<vmem>>, vector<1000x128xf32>
    %add3A_8 = arith.addf %add3A, %get3A_7 : vector<1000x128xf32>
    %get3A_9 = arith.constant 0 : index
    %get3A_10 = arith.constant 0 : index
    %get3A_11 = vector.load %arg4[%get3A_9, %get3A_10] : memref<1000x1xf32, #tpu.memory_space<vmem>>, vector<1000x1xf32>
    %mul3A = vector.broadcast %get3A_11 : vector<1000x1xf32> to vector<1000x128xf32>
    %mul3A_12 = arith.mulf %add3A_8, %mul3A : vector<1000x128xf32>
    %get3A_13 = arith.constant 0 : index
    %get3A_14 = arith.constant 0 : index
    %get3A_15 = vector.load %arg5[%get3A_13, %get3A_14] : memref<128x16xf32, #tpu.memory_space<vmem>>, vector<128x16xf32>
    %dot_general3A = arith.constant dense<0.000000e+00> : vector<1000x16xf32>
    %dot_general3A_16 = tpu.matmul %mul3A_12, %get3A_15, %dot_general3A {dimension_numbers = #tpu.dot_dimension_numbers<[1], [0], [0], [1], [0, 0, 1, 1], [], []>, transpose_lhs_hint = false} : vector<1000x128xf32>, vector<128x16xf32>, vector<1000x16xf32> -> vector<1000x16xf32>
    %get3A_17 = arith.constant 0 : index
    %get3A_18 = arith.constant 0 : index
    %get3A_19 = vector.load %arg6[%get3A_17, %get3A_18] : memref<1x16xf32, #tpu.memory_space<vmem>>, vector<1x16xf32>
    %add3A_20 = vector.broadcast %get3A_19 : vector<1x16xf32> to vector<1000x16xf32>
    %add3A_21 = arith.addf %dot_general3A_16, %add3A_20 : vector<1000x16xf32>
    %swap3A = arith.constant 0 : index
    %swap3A_22 = arith.constant 0 : index
    %swap3A_23 = vector.load %arg7[%swap3A, %swap3A_22] : memref<1000x16xf32, #tpu.memory_space<vmem>>, vector<1000x16xf32>
    tpu.vector_store %arg7[%swap3A, %swap3A_22], %add3A_21 {strides = array<i32>} : memref<1000x16xf32, #tpu.memory_space<vmem>>, vector<1000x16xf32>,
    return
  }
  func.func @transform_0(%arg0: i32) -> (i32, i32) {
    %c0_i32 = arith.constant 0 : i32
    %c0_i32_0 = arith.constant 0 : i32
    return %arg0, %c0_i32 : i32, i32
  }
  func.func @transform_1(%arg0: i32) -> (i32, i32) {
    %c0_i32 = arith.constant 0 : i32
    %c0_i32_0 = arith.constant 0 : i32
    return %arg0, %c0_i32 : i32, i32
  }
  func.func @transform_2(%arg0: i32) -> (i32, i32) {
    %c0_i32 = arith.constant 0 : i32
    %c0_i32_0 = arith.constant 0 : i32
    return %arg0, %c0_i32 : i32, i32
  }
  func.func @transform_3(%arg0: i32) -> (i32, i32) {
    %c0_i32 = arith.constant 0 : i32
    %c0_i32_0 = arith.constant 0 : i32
    return %arg0, %c0_i32 : i32, i32
  }
  func.func @transform_4(%arg0: i32) -> (i32, i32) {
    %c0_i32 = arith.constant 0 : i32
    %c0_i32_0 = arith.constant 0 : i32
    %c0_i32_1 = arith.constant 0 : i32
    return %c0_i32, %c0_i32_0 : i32, i32
  }
  func.func @transform_5(%arg0: i32) -> (i32, i32) {
    %c0_i32 = arith.constant 0 : i32
    %c0_i32_0 = arith.constant 0 : i32
    %c0_i32_1 = arith.constant 0 : i32
    return %c0_i32, %c0_i32_0 : i32, i32
  }
  func.func @transform_6(%arg0: i32) -> (i32, i32) {
    %c0_i32 = arith.constant 0 : i32
    %c0_i32_0 = arith.constant 0 : i32
    return %arg0, %c0_i32 : i32, i32
  }
}

</mosaic_0001>

<sc_bundles>
// kernel: kernel.6.cloned.1.call-start
scs
__scs_entry_jumppad:
0x0: {  	(pc) =	sbr.rel $0x88, $3  }
0x1: {  	(tag) =	ssettag $0x0;
	lr =	simm.s32 $0x1  }
0x2: {  	[smem:$0x3F9D] =	sst lr;
	_ =	strace $0xD0000000  }
0x3: {  	_ = 	snop  }
0x4: {  	_ = 	snop  }
0x5: {  	_ = 	snop  }
0x6: {  	_ = 	snop  }
0x7: {  	_ = 	snop  }
__scs_overlays_trampoline_lowered:
0x8: {  	[smem:$0x3FAC] =	sst s0  }
0x9: {  	[smem:$0x3FAD] =	sst s1  }
0xa: {  	[smem:$0x3FAE] =	sst s2  }
0xb: {  	[smem:$0x3FAF] =	sst s3  }
0xc: {  	[smem:$0x3FB0] =	sst s4  }
0xd: {  	[smem:$0x3FB1] =	sst s5  }
0xe: {  	[smem:$0x3FB2] =	sst s6  }
0xf: {  	[smem:$0x3FB3] =	sst s7  }
0x10: {  	[smem:$0x3FB4] =	sst s8  }
0x11: {  	[smem:$0x3FB5] =	sst s9;
	s0 =	simm.s32 @!p0 $0x0  }
0x12: {  	s1 =	sld [smem:$0x3F9B];
	s0 =	simm.s32 @p0 $0x1  }
0x13: {  	[smem:$0x3FB6] =	sst s0;
	s0 =	simm.s32 @!p1 $0x0  }
0x14: {  	s2 =	sld [smem:$0x3F9A];
	s0 =	simm.s32 @p1 $0x1  }
0x15: {  	[smem:$0x3FB7] =	sst s0;
	s0 =	simm.s32 @!p2 $0x0  }
0x16: {  	s3 =	sld [smem:$0x3FDB];
	s0 =	simm.s32 @p2 $0x1  }
0x17: {  	s4 =	simm.s32 $0x1BF5;
	[smem:$0x3FB9] =	sst s0  }
0x18: {  	s0 =	sld [smem:$0x3F9C];
	_ =	swait.ge [sflag:s4], $0x0  }
0x19: {  	s7 =	sld [smem:$0x3F9D]  }
0x1a: {  	s8 =	sadd.s32 $0xFFFFE003, lr  }
0x1b: {  	s9 =	sadd.s32 $0xFFFFFEF7, lr;
	s5 =	simm.s32 $0xFFFFFFFF;
	p2 =	slt.u32 s8, $0xFFFFF086  }
0x1c: {  	p1 =	slt.u32 s9, $0xF7A;
	s5 =	simm.s32 @!p2 $0x0  }
0x1d: {  	s5 =	simm.s32 @p1 $0x1;
	p0 =	seq.s32 s7, s2  }
0x1e: {  	s7 =	smul.u32 @!p0 $0xF7A, s2;
	p2 =	seq.s32 @!p0 s5, $0x0  }
0x1f: {  	s9 =	smul.u32 $0xF7A, s1;
	s8 =	simm.s32 @!p0 $0x1BF5;
	p2 =	por !p2, p0  }
0x20: {  	[sflag:s8] =	ssyncset.s32 @!p0 $0xFFFFF086;
	s6 =	sadd.s32 @!p0 s3, s7;
	s7 =	simm.s32 @!p0 $0x108  }
0x21: {  	s3 =	sadd.s32 s3, s9;
	s6 =	sadd.s32 @!p0 $0x88, s6;
	s7 =	simm.s32 @p2 $0x1082  }
0x22: {  	[simem:s7], [sflag:s8] =	dma.local @!p0 [hbm:s6], $0xF7A  }
0x23: {  	s9 =	sor.u32 $0xD0000000, s2;
	s6 =	simm.s32 $0x108;
	_ =	swait.ge @!p0 [sflag:s8], $0x0  }
0x24: {  	s3 =	sadd.s32 $0x88, s3;
	s6 =	simm.s32 @!p1 $0x1082;
	[sflag:s4] =	ssyncset.s32 $0xFFFFF086  }
0x25: {  	[simem:s6], [sflag:s4] =	dma.local [hbm:s3], $0xF7A  }
0x26: {  	[smem:$0x3F9D] =	sst s1;
	(tag) =	ssettag s2;
	_ =	strace s9  }
0x27: {  	s1 =	sld [smem:$0x3FAD]  }
0x28: {  	s2 =	sld [smem:$0x3FAE]  }
0x29: {  	s4 =	sld [smem:$0x3FB0]  }
0x2a: {  	p0 =	seq.s32 s5, $0x0;
	s5 =	sld [smem:$0x3FB1]  }
0x2b: {  	s6 =	sld [smem:$0x3FB2]  }
0x2c: {  	s7 =	sld [smem:$0x3FB3]  }
0x2d: {  	s3 =	simm.s32 $0x108;
	s8 =	sld [smem:$0x3FB4]  }
0x2e: {  	s3 =	simm.s32 @!p0 $0x1082;
	s9 =	sld [smem:$0x3FB5]  }
0x2f: {  	lr =	sadd.s32 s0, s3;
	s0 =	sld [smem:$0x3FAC]  }
0x30: {  	s3 =	sld [smem:$0x3FAF]  }
0x31: {  	[smem:$0x3FB8] =	sst s10  }
0x32: {  	s10 =	sld [smem:$0x3FB6];
	_ =	sdelay $0x3  }
0x33: {  	p0 =	seq.s32 s10, $0x1;
	s10 =	sld [smem:$0x3FB8];
	_ =	sdelay $0x3  }
0x34: {  	[smem:$0x3FB8] =	sst s10  }
0x35: {  	s10 =	sld [smem:$0x3FB7];
	_ =	sdelay $0x3  }
0x36: {  	p1 =	seq.s32 s10, $0x1;
	s10 =	sld [smem:$0x3FB8];
	_ =	sdelay $0x3  }
0x37: {  	[smem:$0x3FB8] =	sst s10  }
0x38: {  	s10 =	sld [smem:$0x3FB9]  }
0x39: {  	_ = 	snop;
	(pc) =	sbr.ind lr, $3  }
0x3a: {  	_ = 	snop  }
0x3b: {  	_ = 	snop  }
0x3c: {  	p2 =	seq.s32 s10, $0x1;
	s10 =	sld [smem:$0x3FB8]  }
0x3d: {  	_ =	shalt  }
0x3e: {  	_ =	shalt  }
0x3f: {  	_ =	shalt  }
0x40: {  	_ =	shalt  }
0x41: {  	_ =	shalt  }
0x42: {  	_ =	shalt  }
0x43: {  	_ =	shalt  }
0x44: {  	_ =	shalt  }
0x45: {  	_ =	shalt  }
0x46: {  	_ =	shalt  }
0x47: {  	_ =	shalt  }
0x48: {  	_ =	shalt  }
0x49: {  	_ =	shalt  }
0x4a: {  	_ =	shalt  }
0x4b: {  	_ =	shalt  }
0x4c: {  	_ =	shalt  }
0x4d: {  	_ =	shalt  }
0x4e: {  	_ =	shalt  }
0x4f: {  	_ =	shalt  }
0x50: {  	_ =	shalt  }
0x51: {  	_ =	shalt  }
0x52: {  	_ =	shalt  }
0x53: {  	_ =	shalt  }
0x54: {  	_ =	shalt  }
0x55: {  	_ =	shalt  }
0x56: {  	_ =	shalt  }
0x57: {  	_ =	shalt  }
0x58: {  	_ =	shalt  }
0x59: {  	_ =	shalt  }
0x5a: {  	_ =	shalt  }
0x5b: {  	_ =	shalt  }
0x5c: {  	_ =	shalt  }
0x5d: {  	_ =	shalt  }
0x5e: {  	_ =	shalt  }
0x5f: {  	_ =	shalt  }
0x60: {  	_ =	shalt  }
0x61: {  	_ =	shalt  }
0x62: {  	_ =	shalt  }
0x63: {  	_ =	shalt  }
0x64: {  	_ =	shalt  }
0x65: {  	_ =	shalt  }
0x66: {  	_ =	shalt  }
0x67: {  	_ =	shalt  }
0x68: {  	_ =	shalt  }
0x69: {  	_ =	shalt  }
0x6a: {  	_ =	shalt  }
0x6b: {  	_ =	shalt  }
0x6c: {  	_ =	shalt  }
0x6d: {  	_ =	shalt  }
0x6e: {  	_ =	shalt  }
0x6f: {  	_ =	shalt  }
0x70: {  	_ =	shalt  }
0x71: {  	_ =	shalt  }
0x72: {  	_ =	shalt  }
0x73: {  	_ =	shalt  }
0x74: {  	_ =	shalt  }
0x75: {  	_ =	shalt  }
0x76: {  	_ =	shalt  }
0x77: {  	_ =	shalt  }
0x78: {  	_ =	shalt  }
0x79: {  	_ =	shalt  }
0x7a: {  	_ =	shalt  }
0x7b: {  	_ =	shalt  }
0x7c: {  	_ =	shalt  }
0x7d: {  	_ =	shalt  }
0x7e: {  	_ =	shalt  }
0x7f: {  	_ =	shalt  }
0x80: {  	_ =	shalt  }
0x81: {  	_ =	shalt  }
0x82: {  	_ =	shalt  }
0x83: {  	_ =	shalt  }
0x84: {  	_ =	shalt  }
0x85: {  	_ =	shalt  }
0x86: {  	_ =	shalt  }
0x87: {  	_ =	shalt  }
.Lfunc_end0:
.L_simem_size_0:
called_computation_lowered:
.L_overlay_start_0:
0x88: {  	s2 =	sld [smem:$0x3FD9]  }
0x89: {  	s3 =	sld [smem:$0x3FFE];
	_ =	sdelay $0x1  }
0x8a: {  	s1 =	srdreg.scid  }
0x8b: {  	s0 =	sand.u32 $0x1, s1  }
0x8c: {  	s17 =	sshll.u32 s0, $0xA;
	s2 =	sadd.s32 s3, s2  }
0x8d: {  	s2 =	sadd.s32 s2, s17  }
0x8e: {  	[smem:$0x3FC4] =	sst s2  }
0x8f: {  	_ = 	snop  }
0x90: {  	s2 =	sld [smem:$0x3FD0];
	(tm) =	ssettm $0x1  }
0x91: {  	s18 =	sld [smem:$0x3FFB];
	_ =	sdelay $0x3  }
0x92: {  	_ =	strace s18  }
0x93: {  	s3 =	sld [smem:$0x3FFC];
	_ =	sdelay $0x3  }
0x94: {  	_ =	strace s3  }
0x95: {  	s3 =	sld [smem:$0x3FFD];
	_ =	sdelay $0x3  }
0x96: {  	_ =	strace s3  }
0x97: {  	_ =	strace $0x8FFFFFFF  }
0x98: {  	s19 =	sld [smem:$0x3FDB];
	_ =	sdelay $0x1  }
0x99: {  	s4 =	simm.s32 $_scs_section_size  }
0x9a: {  	s5 =	simm.s32 $_size__tile_overlayer_lowered;
	s6 =	simm.s32 $_tile_overlayer_lowered  }
0x9b: {  	s22 =	simm.s32 $0x1BFF;
	s21 =	sshll.u32 s6, $0x1;
	s3 =	sadd.s32 s4, s19  }
0x9c: {  	s7 =	simm.s32 $0x0;
	s20 =	sshll.u32 s5, $0x1;
	s5 =	sadd.s32 s21, s3  }
0x9d: {  	[timem:s7], [sflag:s22] =	dma.local [hbm:s5], s20  }
0x9e: {  	_ =	swait.ge [sflag:s22], s20  }
0x9f: {  	s4 =	ssub.s32 $0x0, s20;
	[sflag:s22] =	ssyncset.done $0x0  }
0xa0: {  	[sflag:s22] =	ssyncadd.s32 s4;
	_ =	sdelay $0x1  }
0xa1: {  	s23 =	simm.s32 $0x1B8B  }
0xa2: {  	_ =	swait.ge [sflag:s23], $0x1  }
0xa3: {  	[sflag:s23] =	ssyncset.done $0x0  }
0xa4: {  	s25 =	simm.s32 $0x1B8E;
	s24 =	sld [smem:$0x3FFE];
	[sflag:s23] =	ssyncadd.s32 $0xFFFFFFFF  }
0xa5: {  	s26 =	simm.s32 $execute0_lowered;
	[smem:$0x3FD2] =	sst s25  }
0xa6: {  	s5 =	sshll.u32 s26, $0x1;
	_ =	strace $0x80000046;
	[dreg:$0x1] =	wrdreg $0xFFFFFFFF  }
0xa7: {  	s28 =	simm.s32 $_size_execute0_lowered;
	s3 =	sadd.s32 s3, s5;
	[dreg:$0x0] =	wrdreg $0x0  }
0xa8: {  	s5 =	sshll.u32 s28, $0x1;
	[dreg:$0x2] =	wrdreg s3  }
0xa9: {  	[dreg:$0x3] =	wrdreg s5  }
0xaa: {  	[dreg:$0x4] =	wrdreg $0xC0  }
0xab: {  	_ =	task [dreg:s7], $0x5FFFF  }
0xac: {  	[dreg:$0x1] =	wrdreg $0xFFFFFFFF  }
0xad: {  	[dreg:$0x0] =	wrdreg $0x60  }
0xae: {  	[dreg:$0x2] =	wrdreg s24  }
0xaf: {  	[dreg:$0x3] =	wrdreg s2  }
0xb0: {  	[dreg:$0x4] =	wrdreg $0x2B000  }
0xb1: {  	[dreg:$0x5] =	wrdreg $0x9  }
0xb2: {  	_ =	task.clear_ibuf [dreg:s7], $0x6FFFF;
	_ =	strace $0x90000046  }
0xb3: {  	s29 =	simm.s32 $0x9;
	_ =	strace $0x80000048  }
0xb4: {  	_ =	swait.ge [sflag:s29], $0x1  }
0xb5: {  	[sflag:s29] =	ssyncadd.s32 $0xFFFFFFFF  }
0xb6: {  	_ =	strace $0x90000048  }
0xb7: {  	_ =	sfence  }
0xb8: {  	s30 =	sld [smem:$0x0];
	_ =	sdelay $0x2  }
0xb9: {  	s31 =	sshll.u32 s1, $0xD;
	s1 =	sshrl.u32 s1, $0x2  }
0xba: {  	s3 =	sand.u32 $0x4000, s31;
	s1 =	sadd.s32 s1, s30  }
0xbb: {  	s0 =	sor.u32 s3, s0;
	s1 =	sshll.u32 s1, $0x11  }
0xbc: {  	s0 =	sor.u32 s1, s0  }
0xbd: {  	s0 =	sadd.s32 $0x8F2B, s0  }
0xbe: {  	[sflag:s0] =	ssyncadd.remote.s32 $0x1  }
0xbf: {  	_ =	sfence.sel $0xFFFF  }
0xc0: {  	[dreg:$0x0] =	wrdreg $0xFFFFFFFF;
	(pc) =	sbr.abs _section_cstart, $3  }
0xc1: {  	[dreg:$0x1] =	wrdreg $0xFFFFFFFF  }
0xc2: {  	_ =	task.clear_ibuf [dreg:s7], $0x2FFFF;
	_ =	strace $0x9FFFFFFF  }
0xc3: {  	(tm) =	ssettm $0x7FFFFFFF  }
tec
execute0_lowered:
.L_overlay_start_1:
0x0: {  	(tag) =	ssettag $0x1  }
0x1: {  	s4 =	rddreg [dreg:$0x0]  }
0x2: {  	s0 =	srdreg.scid;
	s6 =	rddreg [dreg:$0x1]  }
0x3: {  	s2 =	rddreg [dreg:$0x2];
	s3 =	simm.s32 $0x0;
	s11 =	simm.s32 $0x2800  }
0x4: {  	s12 =	simm.s32 $0x100;
	s5 =	sand.u32 $0x1, s0;
	s0 =	stileid.u32  }
0x5: {  	s13 =	simm.s32 $0x0;
	[smem:$0x7FF] =	sst s3;
	s8 =	smul.u32 $0xA00, s0  }
0x6: {  	s1 =	sshll.u32 s5, $0x4;
	s9 =	smul.u32 $0x500, s0;
	s29 =	ssub.s32 $0x2, s5  }
0x7: {  	s5 =	sshll.u32 s5, $0x7;
	s7 =	sor.u32 s0, s1;
	s1 =	rddreg [dreg:$0x3]  }
0x8: {  	_ =	strace $0x80000047;
	s10 =	sshrl.u32 s29, $0x1;
	s7 =	smul.u32 $0x500, s7  }
0x9: {  	s8 =	sshrl.u32 s8, $0x2;
	s5 =	sor.u32 s5, s9;
	s30 =	ssub.s32 s29, s10  }
0xa: {  	s9 =	simm.s32 $0x1;
	s10 =	simm.s32 $0x80;
	s31 =	sshrl.u32 s5, $0x3  }
0xb: {  	s7 =	sadd.s32 s7, s4;
	s4 =	sadd.s32 s8, s2;
	s6 =	sadd.s32 s6, s31  }
0xc: {  	v0 =	vimm.f32 $1.000000000e+00;
	v1 =	vimm.f32 $0.0e+00;
	s8 =	simm.s32 $0x2880;
	s5 =	sadd.s32 $0x2000, s7;
	s7 =	smax.u32 s30, $0x1  }
.LBB2_1:
0xd: {  	[tilespmem:$0x2800] =	vst v0  }
0xe: {  	[tilespmem:$0x2810] =	vst v0  }
0xf: {  	[tilespmem:$0x2820] =	vst v0  }
0x10: {  	[tilespmem:$0x2830] =	vst v0  }
0x11: {  	[tilespmem:$0x2840] =	vst v0  }
0x12: {  	[tilespmem:$0x2850] =	vst v0  }
0x13: {  	[tilespmem:$0x2860] =	vst v0  }
0x14: {  	[tilespmem:$0x2870] =	vst v0  }
0x15: {  	[tilespmem:$0x2880] =	vst v1  }
0x16: {  	[tilespmem:$0x2890] =	vst v1  }
0x17: {  	[tilespmem:$0x28A0] =	vst v1  }
0x18: {  	[tilespmem:$0x28B0] =	vst v1  }
0x19: {  	[tilespmem:$0x28C0] =	vst v1  }
0x1a: {  	[tilespmem:$0x28D0] =	vst v1  }
0x1b: {  	[tilespmem:$0x28E0] =	vst v1  }
0x1c: {  	[tilespmem:$0x28F0] =	vst v1  }
0x1d: {  	[tilespmem:$0x2900] =	vst v1  }
0x1e: {  	[tilespmem:$0x2910] =	vst v1  }
0x1f: {  	[tilespmem:$0x2920] =	vst v1  }
0x20: {  	[tilespmem:$0x2930] =	vst v1  }
0x21: {  	[tilespmem:$0x2940] =	vst v1  }
0x22: {  	[tilespmem:$0x2950] =	vst v1  }
0x23: {  	[tilespmem:$0x2960] =	vst v1  }
0x24: {  	[tilespmem:$0x2970] =	vst v1  }
0x25: {  	[tilespmem:$0x2980] =	vst v1  }
0x26: {  	[tilespmem:$0x2990] =	vst v1  }
0x27: {  	[tilespmem:$0x29A0] =	vst v1  }
0x28: {  	[tilespmem:$0x29B0] =	vst v1  }
0x29: {  	[tilespmem:$0x29C0] =	vst v1  }
0x2a: {  	[tilespmem:$0x29D0] =	vst v1  }
0x2b: {  	[tilespmem:$0x29E0] =	vst v1  }
0x2c: {  	[tilespmem:$0x29F0] =	vst v1  }
0x2d: {  	[tilespmem:$0x2A00] =	vst v1  }
0x2e: {  	[tilespmem:$0x2A10] =	vst v1  }
0x2f: {  	[tilespmem:$0x2A20] =	vst v1  }
0x30: {  	[tilespmem:$0x2A30] =	vst v1  }
0x31: {  	[tilespmem:$0x2A40] =	vst v1  }
0x32: {  	[tilespmem:$0x2A50] =	vst v1  }
0x33: {  	[tilespmem:$0x2A60] =	vst v1  }
0x34: {  	[tilespmem:$0x2A70] =	vst v1  }
0x35: {  	[tilespmem:$0x2A80] =	vst v1  }
0x36: {  	[tilespmem:$0x2A90] =	vst v1  }
0x37: {  	[tilespmem:$0x2AA0] =	vst v1  }
0x38: {  	[tilespmem:$0x2AB0] =	vst v1  }
0x39: {  	[tilespmem:$0x2AC0] =	vst v1  }
0x3a: {  	[tilespmem:$0x2AD0] =	vst v1  }
0x3b: {  	[tilespmem:$0x2AE0] =	vst v1  }
0x3c: {  	[tilespmem:$0x2AF0] =	vst v1  }
0x3d: {  	[spmem:s4] =	stream.linear.scatter [tilespmem:s8], [sflag:$0x1], $0x280, $0x38;
	[tilespmem:$0x2D80] =	vst v63  }
0x3e: {  	_ =	swait.ge [sflag:s9], $0x280  }
0x3f: {  	[sflag:s9] =	ssyncset.done $0x0  }
0x40: {  	[sflag:s9] =	ssyncadd.s32 $0xFFFFFD80  }
0x41: {  	[bflag:$0x0] =	sbarrier.arrive $0xFFFF  }
0x42: {  	[tilespmem:s3], [sflag:$0x1] =	stream.linear.gather [hbm4b:s5+s3], $0x2800, $0x38;
	[tilespmem:$0x2D80] =	vst v63  }
0x43: {  	_ =	swait.ge [sflag:s9], $0x2800  }
0x44: {  	[sflag:s9] =	ssyncset.done $0x0  }
0x45: {  	s14 =	simm.s32 $0x0;
	[sflag:s9] =	ssyncadd.s32 $0xFFFFD800  }
0x46: {  	[spmem:s2] =	stream.indirect.scatter.add.f32 [tilespmem:s11], [sflag:$0x1], $0x1, s14, s10, $0xb8;
	[tilespmem:$0x2D80] =	vst v63  }
0x47: {  	_ =	swait.ge [sflag:s9], $0x80  }
0x48: {  	s14 =	simm.s32 $0x200;
	[sflag:s9] =	ssyncset.done $0x0  }
.LBB2_2:
0x49: {  	s15 =	sshra.s32 s14, $0x2;
	[sflag:s9] =	ssyncadd.s32 $0xFFFFFF80;
	p0 =	sne.s32 s14, $0x9E00  }
0x4a: {  	[spmem:s2] =	stream.indirect.scatter.add.f32 [tilespmem:s11], [sflag:$0x1], $0x1, s15, s10, $0xb8;
	[tilespmem:$0x2D80] =	vst v63  }
.Ltmp0:
0x4b: {  	_ = 	snop;
	(pc) =	sbr.rel @p0 .LBB2_2-.Ltmp0, $4  }
0x4c: {  	_ = 	snop  }
0x4d: {  	s14 =	sadd.s32 $0x200, s14  }
0x4e: {  	_ =	swait.ge [sflag:s9], $0x80  }
0x4f: {  	[sflag:s9] =	ssyncset.done $0x0  }
0x50: {  	[sflag:s9] =	ssyncadd.s32 $0xFFFFFF80  }
0x51: {  	[bflag:$0x0] =	sbarrier.arrive $0xFFFF  }
0x52: {  	[tilespmem:s8], [sflag:$0x1] =	stream.linear.gather [spmem:s4], $0x280, $0x38;
	[tilespmem:$0x2D80] =	vst v63  }
0x53: {  	s13 =	sadd.s32 $0x1, s13;
	_ =	swait.ge [sflag:s9], $0x280  }
0x54: {  	p0 =	sne.s32 s13, s7;
	[sflag:s9] =	ssyncset.done $0x0  }
.Ltmp1:
0x55: {  	[sflag:s9] =	ssyncadd.s32 $0xFFFFFD80;
	(pc) =	sbr.rel @p0 .LBB2_1-.Ltmp1, $4  }
0x56: {  	[hbm4b:s6+s10] =	stream.strided.scatter [tilespmem:s8], [sflag:$0x1], $0x280, s12, s10, $0x38;
	[tilespmem:$0x2D80] =	vst v63  }
0x57: {  	_ =	swait.ge [sflag:s9], $0x280  }
0x58: {  	[sflag:s9] =	ssyncset.done $0x0  }
0x59: {  	[sflag:s9] =	ssyncadd.s32 $0xFFFFFD80  }
0x5a: {  	_ =	sfence.sel $0x180000  }
0x5b: {  	[bflag:$0x0] =	sbarrier.arrive $0xFFFF  }
0x5c: {  	p0 =	sne.s32 s0, $0x0;
	_ =	strace $0x90000047  }
0x5d: {  	s0 =	sadd.s32 @!p0 $0x100000, s1;
	[bflag:$0x2] =	sbarrier.arrive $0xFFFF  }
0x5e: {  	[sflag:s0] =	ssyncadd.tile.s32 @!p0 $0x1;
	_ =	shalt  }
.Lfunc_end2:
_tile_overlayer_lowered:
.L_overlay_start_2:
0x5f: {  	(tag) =	ssettag $0x2  }
0x60: {  	s0 =	rddreg [dreg:$0x0];
	s2 =	stileid.u32  }
0x61: {  	s1 =	rddreg [dreg:$0x1];
	p0 =	sne.s32 s2, $0x0  }
0x62: {  	s3 =	rddreg [dreg:$0x2];
	[bflag:$0x3] =	sbarrier.arrive $0xFFFF;
	s2 =	simm.s32 @!p0 $0x1C01  }
0x63: {  	[timem:s3], [sflag:s2] =	dma.local @!p0 [hbm:s0], s1  }
0x64: {  	s0 =	simm.s32 @!p0 $0x1  }
0x65: {  	_ =	swait.ge @!p0 [sflag:s0], s1  }
0x66: {  	s1 =	ssub.s32 @!p0 $0x0, s1;
	[sflag:s0] =	ssyncset.done @!p0 $0x0  }
0x67: {  	[sflag:s0] =	ssyncadd.s32 @!p0 s1  }
0x68: {  	[bflag:$0x3] =	sbarrier.arrive $0xFFFF  }
0x69: {  	_ =	shalt  }

// kernel: kernel.9.cloned.1.call-start
scs
__scs_entry_jumppad:
0x0: {  	(pc) =	sbr.rel $0x88, $3  }
0x1: {  	(tag) =	ssettag $0x0;
	lr =	simm.s32 $0x1  }
0x2: {  	[smem:$0x3F9D] =	sst lr;
	_ =	strace $0xD0000000  }
0x3: {  	_ = 	snop  }
0x4: {  	_ = 	snop  }
0x5: {  	_ = 	snop  }
0x6: {  	_ = 	snop  }
0x7: {  	_ = 	snop  }
__scs_overlays_trampoline_lowered:
0x8: {  	[smem:$0x3FAC] =	sst s0  }
0x9: {  	[smem:$0x3FAD] =	sst s1  }
0xa: {  	[smem:$0x3FAE] =	sst s2  }
0xb: {  	[smem:$0x3FAF] =	sst s3  }
0xc: {  	[smem:$0x3FB0] =	sst s4  }
0xd: {  	[smem:$0x3FB1] =	sst s5  }
0xe: {  	[smem:$0x3FB2] =	sst s6  }
0xf: {  	[smem:$0x3FB3] =	sst s7  }
0x10: {  	[smem:$0x3FB4] =	sst s8  }
0x11: {  	[smem:$0x3FB5] =	sst s9;
	s0 =	simm.s32 @!p0 $0x0  }
0x12: {  	s1 =	sld [smem:$0x3F9B];
	s0 =	simm.s32 @p0 $0x1  }
0x13: {  	[smem:$0x3FB6] =	sst s0;
	s0 =	simm.s32 @!p1 $0x0  }
0x14: {  	s2 =	sld [smem:$0x3F9A];
	s0 =	simm.s32 @p1 $0x1  }
0x15: {  	[smem:$0x3FB7] =	sst s0;
	s0 =	simm.s32 @!p2 $0x0  }
0x16: {  	s3 =	sld [smem:$0x3FDB];
	s0 =	simm.s32 @p2 $0x1  }
0x17: {  	s4 =	simm.s32 $0x1BF5;
	[smem:$0x3FB9] =	sst s0  }
0x18: {  	s0 =	sld [smem:$0x3F9C];
	_ =	swait.ge [sflag:s4], $0x0  }
0x19: {  	s7 =	sld [smem:$0x3F9D]  }
0x1a: {  	s8 =	sadd.s32 $0xFFFFE003, lr  }
0x1b: {  	s9 =	sadd.s32 $0xFFFFFEF7, lr;
	s5 =	simm.s32 $0xFFFFFFFF;
	p2 =	slt.u32 s8, $0xFFFFF086  }
0x1c: {  	p1 =	slt.u32 s9, $0xF7A;
	s5 =	simm.s32 @!p2 $0x0  }
0x1d: {  	s5 =	simm.s32 @p1 $0x1;
	p0 =	seq.s32 s7, s2  }
0x1e: {  	s7 =	smul.u32 @!p0 $0xF7A, s2;
	p2 =	seq.s32 @!p0 s5, $0x0  }
0x1f: {  	s9 =	smul.u32 $0xF7A, s1;
	s8 =	simm.s32 @!p0 $0x1BF5;
	p2 =	por !p2, p0  }
0x20: {  	[sflag:s8] =	ssyncset.s32 @!p0 $0xFFFFF086;
	s6 =	sadd.s32 @!p0 s3, s7;
	s7 =	simm.s32 @!p0 $0x108  }
0x21: {  	s3 =	sadd.s32 s3, s9;
	s6 =	sadd.s32 @!p0 $0x88, s6;
	s7 =	simm.s32 @p2 $0x1082  }
0x22: {  	[simem:s7], [sflag:s8] =	dma.local @!p0 [hbm:s6], $0xF7A  }
0x23: {  	s9 =	sor.u32 $0xD0000000, s2;
	s6 =	simm.s32 $0x108;
	_ =	swait.ge @!p0 [sflag:s8], $0x0  }
0x24: {  	s3 =	sadd.s32 $0x88, s3;
	s6 =	simm.s32 @!p1 $0x1082;
	[sflag:s4] =	ssyncset.s32 $0xFFFFF086  }
0x25: {  	[simem:s6], [sflag:s4] =	dma.local [hbm:s3], $0xF7A  }
0x26: {  	[smem:$0x3F9D] =	sst s1;
	(tag) =	ssettag s2;
	_ =	strace s9  }
0x27: {  	s1 =	sld [smem:$0x3FAD]  }
0x28: {  	s2 =	sld [smem:$0x3FAE]  }
0x29: {  	s4 =	sld [smem:$0x3FB0]  }
0x2a: {  	p0 =	seq.s32 s5, $0x0;
	s5 =	sld [smem:$0x3FB1]  }
0x2b: {  	s6 =	sld [smem:$0x3FB2]  }
0x2c: {  	s7 =	sld [smem:$0x3FB3]  }
0x2d: {  	s3 =	simm.s32 $0x108;
	s8 =	sld [smem:$0x3FB4]  }
0x2e: {  	s3 =	simm.s32 @!p0 $0x1082;
	s9 =	sld [smem:$0x3FB5]  }
0x2f: {  	lr =	sadd.s32 s0, s3;
	s0 =	sld [smem:$0x3FAC]  }
0x30: {  	s3 =	sld [smem:$0x3FAF]  }
0x31: {  	[smem:$0x3FB8] =	sst s10  }
0x32: {  	s10 =	sld [smem:$0x3FB6];
	_ =	sdelay $0x3  }
0x33: {  	p0 =	seq.s32 s10, $0x1;
	s10 =	sld [smem:$0x3FB8];
	_ =	sdelay $0x3  }
0x34: {  	[smem:$0x3FB8] =	sst s10  }
0x35: {  	s10 =	sld [smem:$0x3FB7];
	_ =	sdelay $0x3  }
0x36: {  	p1 =	seq.s32 s10, $0x1;
	s10 =	sld [smem:$0x3FB8];
	_ =	sdelay $0x3  }
0x37: {  	[smem:$0x3FB8] =	sst s10  }
0x38: {  	s10 =	sld [smem:$0x3FB9]  }
0x39: {  	_ = 	snop;
	(pc) =	sbr.ind lr, $3  }
0x3a: {  	_ = 	snop  }
0x3b: {  	_ = 	snop  }
0x3c: {  	p2 =	seq.s32 s10, $0x1;
	s10 =	sld [smem:$0x3FB8]  }
0x3d: {  	_ =	shalt  }
0x3e: {  	_ =	shalt  }
0x3f: {  	_ =	shalt  }
0x40: {  	_ =	shalt  }
0x41: {  	_ =	shalt  }
0x42: {  	_ =	shalt  }
0x43: {  	_ =	shalt  }
0x44: {  	_ =	shalt  }
0x45: {  	_ =	shalt  }
0x46: {  	_ =	shalt  }
0x47: {  	_ =	shalt  }
0x48: {  	_ =	shalt  }
0x49: {  	_ =	shalt  }
0x4a: {  	_ =	shalt  }
0x4b: {  	_ =	shalt  }
0x4c: {  	_ =	shalt  }
0x4d: {  	_ =	shalt  }
0x4e: {  	_ =	shalt  }
0x4f: {  	_ =	shalt  }
0x50: {  	_ =	shalt  }
0x51: {  	_ =	shalt  }
0x52: {  	_ =	shalt  }
0x53: {  	_ =	shalt  }
0x54: {  	_ =	shalt  }
0x55: {  	_ =	shalt  }
0x56: {  	_ =	shalt  }
0x57: {  	_ =	shalt  }
0x58: {  	_ =	shalt  }
0x59: {  	_ =	shalt  }
0x5a: {  	_ =	shalt  }
0x5b: {  	_ =	shalt  }
0x5c: {  	_ =	shalt  }
0x5d: {  	_ =	shalt  }
0x5e: {  	_ =	shalt  }
0x5f: {  	_ =	shalt  }
0x60: {  	_ =	shalt  }
0x61: {  	_ =	shalt  }
0x62: {  	_ =	shalt  }
0x63: {  	_ =	shalt  }
0x64: {  	_ =	shalt  }
0x65: {  	_ =	shalt  }
0x66: {  	_ =	shalt  }
0x67: {  	_ =	shalt  }
0x68: {  	_ =	shalt  }
0x69: {  	_ =	shalt  }
0x6a: {  	_ =	shalt  }
0x6b: {  	_ =	shalt  }
0x6c: {  	_ =	shalt  }
0x6d: {  	_ =	shalt  }
0x6e: {  	_ =	shalt  }
0x6f: {  	_ =	shalt  }
0x70: {  	_ =	shalt  }
0x71: {  	_ =	shalt  }
0x72: {  	_ =	shalt  }
0x73: {  	_ =	shalt  }
0x74: {  	_ =	shalt  }
0x75: {  	_ =	shalt  }
0x76: {  	_ =	shalt  }
0x77: {  	_ =	shalt  }
0x78: {  	_ =	shalt  }
0x79: {  	_ =	shalt  }
0x7a: {  	_ =	shalt  }
0x7b: {  	_ =	shalt  }
0x7c: {  	_ =	shalt  }
0x7d: {  	_ =	shalt  }
0x7e: {  	_ =	shalt  }
0x7f: {  	_ =	shalt  }
0x80: {  	_ =	shalt  }
0x81: {  	_ =	shalt  }
0x82: {  	_ =	shalt  }
0x83: {  	_ =	shalt  }
0x84: {  	_ =	shalt  }
0x85: {  	_ =	shalt  }
0x86: {  	_ =	shalt  }
0x87: {  	_ =	shalt  }
.Lfunc_end0:
.L_simem_size_0:
called_computation.1_lowered:
.L_overlay_start_0:
0x88: {  	s2 =	sld [smem:$0x3FD9]  }
0x89: {  	s3 =	sld [smem:$0x3FFE];
	_ =	sdelay $0x1  }
0x8a: {  	s1 =	srdreg.scid  }
0x8b: {  	s0 =	sand.u32 $0x1, s1  }
0x8c: {  	s16 =	sshll.u32 s0, $0xA;
	s2 =	sadd.s32 s3, s2  }
0x8d: {  	s2 =	sadd.s32 s2, s16  }
0x8e: {  	[smem:$0x3FC4] =	sst s2  }
0x8f: {  	_ = 	snop  }
0x90: {  	(tm) =	ssettm $0x1  }
0x91: {  	s17 =	sld [smem:$0x3FFB];
	_ =	sdelay $0x3  }
0x92: {  	_ =	strace s17  }
0x93: {  	s2 =	sld [smem:$0x3FFC];
	_ =	sdelay $0x3  }
0x94: {  	_ =	strace s2  }
0x95: {  	s2 =	sld [smem:$0x3FFD];
	_ =	sdelay $0x3  }
0x96: {  	_ =	strace s2  }
0x97: {  	_ =	strace $0x8FFFFFFF  }
0x98: {  	s18 =	sld [smem:$0x3FDB];
	_ =	sdelay $0x1  }
0x99: {  	s19 =	simm.s32 $_scs_section_size  }
0x9a: {  	s4 =	simm.s32 $_size__tile_overlayer_lowered;
	s5 =	simm.s32 $_tile_overlayer_lowered  }
0x9b: {  	s22 =	simm.s32 $0x1BFF;
	s21 =	sshll.u32 s5, $0x1;
	s2 =	sadd.s32 s19, s18  }
0x9c: {  	s6 =	simm.s32 $0x0;
	s20 =	sshll.u32 s4, $0x1;
	s4 =	sadd.s32 s21, s2  }
0x9d: {  	[timem:s6], [sflag:s22] =	dma.local [hbm:s4], s20  }
0x9e: {  	_ =	swait.ge [sflag:s22], s20  }
0x9f: {  	s3 =	ssub.s32 $0x0, s20;
	[sflag:s22] =	ssyncset.done $0x0  }
0xa0: {  	[sflag:s22] =	ssyncadd.s32 s3;
	_ =	sdelay $0x1  }
0xa1: {  	s23 =	simm.s32 $0x1B8B  }
0xa2: {  	_ =	swait.ge [sflag:s23], $0x1  }
0xa3: {  	[sflag:s23] =	ssyncset.done $0x0  }
0xa4: {  	s25 =	simm.s32 $0x1B8E;
	s24 =	sld [smem:$0x3FFE];
	[sflag:s23] =	ssyncadd.s32 $0xFFFFFFFF  }
0xa5: {  	s26 =	simm.s32 $execute0_lowered;
	[smem:$0x3FD2] =	sst s25  }
0xa6: {  	s4 =	sshll.u32 s26, $0x1;
	_ =	strace $0x80000049;
	[dreg:$0x1] =	wrdreg $0xFFFFFFFF  }
0xa7: {  	s28 =	simm.s32 $_size_execute0_lowered;
	s2 =	sadd.s32 s2, s4;
	[dreg:$0x0] =	wrdreg $0x0  }
0xa8: {  	s4 =	sshll.u32 s28, $0x1;
	[dreg:$0x2] =	wrdreg s2  }
0xa9: {  	[dreg:$0x3] =	wrdreg s4  }
0xaa: {  	[dreg:$0x4] =	wrdreg $0xC0  }
0xab: {  	_ =	task [dreg:s6], $0x5FFFF  }
0xac: {  	[dreg:$0x1] =	wrdreg $0xFFFFFFFF  }
0xad: {  	[dreg:$0x0] =	wrdreg $0x60  }
0xae: {  	[dreg:$0x2] =	wrdreg s24  }
0xaf: {  	[dreg:$0x3] =	wrdreg $0xB0000  }
0xb0: {  	[dreg:$0x4] =	wrdreg $0x9  }
0xb1: {  	_ =	task.clear_ibuf [dreg:s6], $0x5FFFF;
	_ =	strace $0x90000049  }
0xb2: {  	s29 =	simm.s32 $0x9;
	_ =	strace $0x8000004B  }
0xb3: {  	_ =	swait.ge [sflag:s29], $0x1  }
0xb4: {  	[sflag:s29] =	ssyncadd.s32 $0xFFFFFFFF  }
0xb5: {  	_ =	strace $0x9000004B  }
0xb6: {  	_ =	sfence  }
0xb7: {  	s30 =	sld [smem:$0x0];
	_ =	sdelay $0x2  }
0xb8: {  	s31 =	sshll.u32 s1, $0xD;
	s1 =	sshrl.u32 s1, $0x2  }
0xb9: {  	s3 =	sand.u32 $0x4000, s31;
	s1 =	sadd.s32 s1, s30  }
0xba: {  	s0 =	sor.u32 s3, s0;
	s1 =	sshll.u32 s1, $0x11  }
0xbb: {  	s0 =	sor.u32 s1, s0  }
0xbc: {  	s0 =	sadd.s32 $0x8F2B, s0  }
0xbd: {  	[sflag:s0] =	ssyncadd.remote.s32 $0x1  }
0xbe: {  	_ =	sfence.sel $0xFFFF  }
0xbf: {  	[dreg:$0x0] =	wrdreg $0xFFFFFFFF;
	(pc) =	sbr.abs _section_cstart, $3  }
0xc0: {  	[dreg:$0x1] =	wrdreg $0xFFFFFFFF  }
0xc1: {  	_ =	task.clear_ibuf [dreg:s6], $0x2FFFF;
	_ =	strace $0x9FFFFFFF  }
0xc2: {  	(tm) =	ssettm $0x7FFFFFFF  }
0xc3: {  	_ =	shalt  }
tec
execute0_lowered:
.L_overlay_start_1:
0x0: {  	(tag) =	ssettag $0x1  }
0x1: {  	s0 =	rddreg [dreg:$0x0]  }
0x2: {  	s2 =	srdreg.scid;
	s15 =	stileid.u32  }
0x3: {  	s1 =	rddreg [dreg:$0x1];
	s3 =	sand.u32 $0x1, s2;
	s6 =	smul.u32 $0x14000, s15  }
0x4: {  	s2 =	simm.s32 $0x0;
	s7 =	sadd.s32 $0x64400, s0;
	s20 =	smul.u32 $0x50000, s15  }
0x5: {  	s4 =	sshll.u32 s3, $0x4;
	s5 =	smul.u32 $0x140000, s3;
	s3 =	ssub.s32 $0x2, s3  }
0x6: {  	[smem:$0x7FF] =	sst s2;
	s4 =	sor.u32 s15, s4;
	s9 =	sshrl.u32 s3, $0x1  }
0x7: {  	s10 =	sor.u32 $0x2000, s6;
	s11 =	sadd.s32 $0x6000, s6;
	s13 =	sadd.s32 $0x8000, s6  }
0x8: {  	s16 =	sadd.s32 $0xC000, s6;
	s17 =	sadd.s32 $0xE000, s6;
	s21 =	sshrl.u32 s20, $0x2  }
0x9: {  	s4 =	smul.u32 $0x500, s4;
	s8 =	sadd.s32 s5, s6;
	s3 =	ssub.s32 s3, s9  }
0xa: {  	s22 =	sadd.s32 s5, s10;
	s9 =	sadd.s32 $0x4000, s6;
	s12 =	sadd.s32 s5, s11  }
0xb: {  	s25 =	sadd.s32 s5, s13;
	s14 =	sadd.s32 s5, s16;
	s18 =	sadd.s32 s5, s17  }
0xc: {  	s15 =	sadd.s32 s21, s1;
	s21 =	sadd.s32 s11, s1;
	s8 =	sshrl.u32 s8, $0x3  }
0xd: {  	s23 =	sadd.s32 s5, s9;
	s12 =	sshrl.u32 s12, $0x3;
	s14 =	sshrl.u32 s14, $0x3  }
0xe: {  	s20 =	sadd.s32 s9, s1;
	s29 =	sadd.s32 $0x2000, s15;
	s30 =	sadd.s32 $0x4000, s15  }
0xf: {  	s31 =	sadd.s32 $0x6000, s15;
	s11 =	sadd.s32 $0x8000, s15;
	s9 =	simm.s32 $0x80  }
0x10: {  	s8 =	sadd.s32 s7, s8;
	s24 =	sadd.s32 s7, s12;
	s12 =	sadd.s32 $0xA000, s6  }
0x11: {  	s14 =	sadd.s32 s7, s14;
	[dreg:$0x3] =	wrdreg s8;
	s8 =	sshrl.u32 s22, $0x3  }
0x12: {  	s4 =	sadd.s32 s4, s0;
	[dreg:$0x6] =	wrdreg s24;
	s8 =	sadd.s32 s7, s8  }
0x13: {  	s26 =	sadd.s32 s5, s12;
	[dreg:$0x4] =	wrdreg s8;
	s8 =	sshrl.u32 s23, $0x3  }
0x14: {  	[dreg:$0x9] =	wrdreg s14;
	s14 =	sadd.s32 $0x16000, s0;
	s8 =	sadd.s32 s7, s8  }
0x15: {  	s22 =	sadd.s32 $0xC000, s4;
	[dreg:$0x5] =	wrdreg s8;
	s8 =	sshrl.u32 s25, $0x3  }
0x16: {  	s24 =	smax.u32 s3, $0x1;
	s0 =	sadd.s32 $0xA000, s15;
	s8 =	sadd.s32 s7, s8  }
0x17: {  	[dreg:$0x7] =	wrdreg s8;
	s8 =	sshrl.u32 s26, $0x3;
	s26 =	sadd.s32 $0x10000, s6  }
0x18: {  	s6 =	sadd.s32 $0x12000, s6;
	s8 =	sadd.s32 s7, s8;
	s19 =	sadd.s32 s5, s26  }
0x19: {  	s5 =	sadd.s32 s5, s6;
	[dreg:$0x8] =	wrdreg s8;
	s8 =	sshrl.u32 s18, $0x3  }
0x1a: {  	s3 =	sadd.s32 $0xC000, s15;
	s5 =	sshrl.u32 s5, $0x3;
	s8 =	sadd.s32 s7, s8  }
0x1b: {  	s5 =	sadd.s32 s7, s5;
	[dreg:$0xa] =	wrdreg s8;
	s8 =	sshrl.u32 s19, $0x3  }
0x1c: {  	s23 =	sadd.s32 $0x2000, s4;
	[dreg:$0xc] =	wrdreg s5;
	s8 =	sadd.s32 s7, s8  }
0x1d: {  	s4 =	sadd.s32 $0xE000, s15;
	s25 =	sadd.s32 s10, s1;
	[dreg:$0xb] =	wrdreg s8  }
0x1e: {  	s10 =	simm.s32 $0x5000;
	_ =	strace $0x8000004A;
	[dreg:$0xd] =	wrdreg s22  }
0x1f: {  	s26 =	sadd.s32 s26, s1;
	s28 =	sadd.s32 s6, s1;
	[dreg:$0xe] =	wrdreg s23  }
0x20: {  	s6 =	sadd.s32 $0x12000, s15;
	s5 =	sadd.s32 $0x10000, s15;
	[dreg:$0xf] =	wrdreg s24  }
0x21: {  	s7 =	simm.s32 $0x9000;
	s8 =	simm.s32 $0x2;
	[dreg:$0x10] =	wrdreg s25  }
0x22: {  	s22 =	sadd.s32 s13, s1;
	s23 =	sadd.s32 s12, s1;
	s24 =	sadd.s32 s16, s1  }
0x23: {  	v0 =	vimm.f32 $0.0e+00;
	s25 =	sadd.s32 s17, s1;
	s12 =	simm.s32 $0x1;
	s13 =	simm.s32 $0x0  }
.LBB2_1:
0x24: {  	s16 =	simm.s32 $0x0;
	s17 =	simm.s32 $0x200  }
.LBB2_2:
0x25: {  	p0 =	sne.s32 s17, $0x7E00;
	[tilespmem:s16+$0x9070] =	vst v0  }
0x26: {  	[tilespmem:s16+$0x9000] =	vst v0  }
0x27: {  	[tilespmem:s16+$0x9010] =	vst v0  }
.Ltmp0:
0x28: {  	[tilespmem:s16+$0x9020] =	vst v0;
	(pc) =	sbr.rel @p0 .LBB2_2-.Ltmp0, $4  }
0x29: {  	[tilespmem:s16+$0x9030] =	vst v0  }
0x2a: {  	[tilespmem:s16+$0x9040] =	vst v0  }
0x2b: {  	[tilespmem:s16+$0x9050] =	vst v0  }
0x2c: {  	[tilespmem:s16+$0x9060] =	vst v0;
	s16 =	sshra.s32 s17, $0x2;
	s17 =	sadd.s32 $0x200, s17  }
0x2d: {  	[tilespmem:s16+$0x9070] =	vst v0  }
0x2e: {  	[tilespmem:s16+$0x9000] =	vst v0  }
0x2f: {  	[tilespmem:s16+$0x9010] =	vst v0  }
0x30: {  	[tilespmem:s16+$0x9020] =	vst v0  }
0x31: {  	[tilespmem:s16+$0x9030] =	vst v0  }
0x32: {  	[tilespmem:s16+$0x9040] =	vst v0  }
0x33: {  	[tilespmem:s16+$0x9050] =	vst v0  }
0x34: {  	[tilespmem:s16+$0x9060] =	vst v0  }
0x35: {  	[spmem:s15] =	stream.linear.scatter [tilespmem:s7], [sflag:$0x2], $0x2000, $0x38;
	[tilespmem:$0x1F000] =	vst v63  }
0x36: {  	_ =	swait.ge [sflag:s8], $0x2000  }
0x37: {  	[sflag:s8] =	ssyncset.done $0x0  }
0x38: {  	[sflag:s8] =	ssyncadd.s32 $0xFFFFE000  }
0x39: {  	[spmem:s29] =	stream.linear.scatter [tilespmem:s7], [sflag:$0x2], $0x2000, $0x38;
	[tilespmem:$0x1F000] =	vst v63  }
0x3a: {  	_ =	swait.ge [sflag:s8], $0x2000  }
0x3b: {  	[sflag:s8] =	ssyncset.done $0x0  }
0x3c: {  	[sflag:s8] =	ssyncadd.s32 $0xFFFFE000  }
0x3d: {  	[spmem:s30] =	stream.linear.scatter [tilespmem:s7], [sflag:$0x2], $0x2000, $0x38;
	[tilespmem:$0x1F000] =	vst v63  }
0x3e: {  	_ =	swait.ge [sflag:s8], $0x2000  }
0x3f: {  	[sflag:s8] =	ssyncset.done $0x0  }
0x40: {  	[sflag:s8] =	ssyncadd.s32 $0xFFFFE000  }
0x41: {  	[spmem:s31] =	stream.linear.scatter [tilespmem:s7], [sflag:$0x2], $0x2000, $0x38;
	[tilespmem:$0x1F000] =	vst v63  }
0x42: {  	_ =	swait.ge [sflag:s8], $0x2000  }
0x43: {  	[sflag:s8] =	ssyncset.done $0x0  }
0x44: {  	[sflag:s8] =	ssyncadd.s32 $0xFFFFE000  }
0x45: {  	[spmem:s11] =	stream.linear.scatter [tilespmem:s7], [sflag:$0x2], $0x2000, $0x38;
	[tilespmem:$0x1F000] =	vst v63  }
0x46: {  	_ =	swait.ge [sflag:s8], $0x2000  }
0x47: {  	[sflag:s8] =	ssyncset.done $0x0  }
0x48: {  	[sflag:s8] =	ssyncadd.s32 $0xFFFFE000  }
0x49: {  	[spmem:s0] =	stream.linear.scatter [tilespmem:s7], [sflag:$0x2], $0x2000, $0x38;
	[tilespmem:$0x1F000] =	vst v63  }
0x4a: {  	_ =	swait.ge [sflag:s8], $0x2000  }
0x4b: {  	[sflag:s8] =	ssyncset.done $0x0  }
0x4c: {  	[sflag:s8] =	ssyncadd.s32 $0xFFFFE000  }
0x4d: {  	[spmem:s3] =	stream.linear.scatter [tilespmem:s7], [sflag:$0x2], $0x2000, $0x38;
	[tilespmem:$0x1F000] =	vst v63  }
0x4e: {  	_ =	swait.ge [sflag:s8], $0x2000  }
0x4f: {  	[sflag:s8] =	ssyncset.done $0x0  }
0x50: {  	[sflag:s8] =	ssyncadd.s32 $0xFFFFE000  }
0x51: {  	[spmem:s4] =	stream.linear.scatter [tilespmem:s7], [sflag:$0x2], $0x2000, $0x38;
	[tilespmem:$0x1F000] =	vst v63  }
0x52: {  	_ =	swait.ge [sflag:s8], $0x2000  }
0x53: {  	[sflag:s8] =	ssyncset.done $0x0  }
0x54: {  	[sflag:s8] =	ssyncadd.s32 $0xFFFFE000  }
0x55: {  	[spmem:s5] =	stream.linear.scatter [tilespmem:s7], [sflag:$0x2], $0x2000, $0x38;
	[tilespmem:$0x1F000] =	vst v63  }
0x56: {  	_ =	swait.ge [sflag:s8], $0x2000  }
0x57: {  	[sflag:s8] =	ssyncset.done $0x0  }
0x58: {  	[sflag:s8] =	ssyncadd.s32 $0xFFFFE000  }
0x59: {  	[spmem:s6] =	stream.linear.scatter [tilespmem:s7], [sflag:$0x2], $0x2000, $0x38;
	[tilespmem:$0x1F000] =	vst v63  }
0x5a: {  	_ =	swait.ge [sflag:s8], $0x2000  }
0x5b: {  	[sflag:s8] =	ssyncset.done $0x0  }
0x5c: {  	[sflag:s8] =	ssyncadd.s32 $0xFFFFE000  }
0x5d: {  	[bflag:$0x0] =	sbarrier.arrive $0xFFFF  }
0x5e: {  	s16 =	simm.s32 $0x0;
	s17 =	rddreg [dreg:$0xd]  }
0x5f: {  	[tilespmem:s16], [sflag:$0x2] =	stream.linear.gather [hbm4b:s17+s16], $0x2800, $0x38;
	[tilespmem:$0x1F000] =	vst v63  }
0x60: {  	_ =	swait.ge [sflag:s8], $0x2800  }
0x61: {  	[sflag:s8] =	ssyncset.done $0x0  }
0x62: {  	s18 =	simm.s32 $0x2800;
	s19 =	rddreg [dreg:$0xe];
	[sflag:s8] =	ssyncadd.s32 $0xFFFFD800  }
0x63: {  	[tilespmem:s18], [sflag:$0x2] =	stream.linear.gather [hbm4b:s19+s16], $0x2800, $0x38;
	[tilespmem:$0x1F000] =	vst v63  }
0x64: {  	_ =	swait.ge [sflag:s8], $0x2800  }
0x65: {  	[sflag:s8] =	ssyncset.done $0x0  }
0x66: {  	s18 =	simm.s32 $0x0;
	[sflag:s8] =	ssyncadd.s32 $0xFFFFD800  }
0x67: {  	[tilespmem:s10], [sflag:$0x1] =	stream.indirect.gather [hbm4b:s14+s9], $0x80, s18, s9, $0xb8;
	[tilespmem:$0x1F000] =	vst v63  }
0x68: {  	_ =	swait.ge [sflag:s12], $0x4000  }
0x69: {  	[sflag:s12] =	ssyncset.done $0x0  }
0x6a: {  	s19 =	simm.s32 $0x2800;
	[sflag:s12] =	ssyncadd.s32 $0xFFFFC000  }
0x6b: {  	[spmem:s1] =	stream.indirect.scatter.add.f32 [tilespmem:s10], [sflag:$0x2], $0x80, s19, s9, $0xb8;
	[tilespmem:$0x1F000] =	vst v63  }
0x6c: {  	_ =	swait.ge [sflag:s8], $0x4000  }
0x6d: {  	s17 =	simm.s32 $0x400;
	s16 =	simm.s32 $0x200;
	[sflag:s8] =	ssyncset.done $0x0  }
.LBB2_4:
0x6e: {  	s18 =	sshra.s32 s16, $0x2  }
0x6f: {  	[sflag:s8] =	ssyncadd.s32 $0xFFFFC000;
	s16 =	smov.u32 s17;
	s19 =	sadd.s32 $0x200, s17  }
0x70: {  	[tilespmem:s10], [sflag:$0x1] =	stream.indirect.gather [hbm4b:s14+s9], $0x80, s18, s9, $0xb8;
	[tilespmem:$0x1F000] =	vst v63  }
0x71: {  	p0 =	sne.s32 s17, $0x9E00;
	_ =	swait.ge [sflag:s12], $0x4000  }
.Ltmp1:
0x72: {  	[sflag:s12] =	ssyncset.done $0x0;
	(pc) =	sbr.rel @p0 .LBB2_4-.Ltmp1, $4  }
0x73: {  	s17 =	sadd.s32 $0x2800, s18;
	[sflag:s12] =	ssyncadd.s32 $0xFFFFC000  }
0x74: {  	[spmem:s1] =	stream.indirect.scatter.add.f32 [tilespmem:s10], [sflag:$0x2], $0x80, s17, s9, $0xb8;
	[tilespmem:$0x1F000] =	vst v63  }
0x75: {  	_ =	swait.ge [sflag:s8], $0x4000  }
0x76: {  	s17 =	smov.u32 s19;
	[sflag:s8] =	ssyncset.done $0x0  }
0x77: {  	s16 =	sshra.s32 s16, $0x2;
	[sflag:s8] =	ssyncadd.s32 $0xFFFFC000  }
0x78: {  	[tilespmem:s10], [sflag:$0x1] =	stream.indirect.gather [hbm4b:s14+s9], $0x80, s16, s9, $0xb8;
	[tilespmem:$0x1F000] =	vst v63  }
0x79: {  	_ =	swait.ge [sflag:s12], $0x4000  }
0x7a: {  	[sflag:s12] =	ssyncset.done $0x0  }
0x7b: {  	s16 =	sadd.s32 $0x2800, s16;
	[sflag:s12] =	ssyncadd.s32 $0xFFFFC000  }
0x7c: {  	[spmem:s1] =	stream.indirect.scatter.add.f32 [tilespmem:s10], [sflag:$0x2], $0x80, s16, s9, $0xb8;
	[tilespmem:$0x1F000] =	vst v63  }
0x7d: {  	_ =	swait.ge [sflag:s8], $0x4000  }
0x7e: {  	[sflag:s8] =	ssyncset.done $0x0  }
0x7f: {  	[sflag:s8] =	ssyncadd.s32 $0xFFFFC000  }
0x80: {  	[bflag:$0x0] =	sbarrier.arrive $0xFFFF  }
0x81: {  	[tilespmem:s7], [sflag:$0x2] =	stream.linear.gather [spmem:s15], $0x2000, $0x38;
	[tilespmem:$0x1F000] =	vst v63  }
0x82: {  	_ =	swait.ge [sflag:s8], $0x2000  }
0x83: {  	[sflag:s8] =	ssyncset.done $0x0  }
0x84: {  	s17 =	rddreg [dreg:$0x3];
	[sflag:s8] =	ssyncadd.s32 $0xFFFFE000  }
0x85: {  	[hbm4b:s17+s2] =	stream.linear.scatter [tilespmem:s7], [sflag:$0x2], $0x2000, $0x38;
	[tilespmem:$0x1F000] =	vst v63  }
0x86: {  	_ =	swait.ge [sflag:s8], $0x2000  }
0x87: {  	[sflag:s8] =	ssyncset.done $0x0  }
0x88: {  	s18 =	rddreg [dreg:$0x10];
	[sflag:s8] =	ssyncadd.s32 $0xFFFFE000  }
0x89: {  	[tilespmem:s7], [sflag:$0x2] =	stream.linear.gather [spmem:s18], $0x2000, $0x38;
	[tilespmem:$0x1F000] =	vst v63  }
0x8a: {  	_ =	swait.ge [sflag:s8], $0x2000  }
0x8b: {  	[sflag:s8] =	ssyncset.done $0x0  }
0x8c: {  	s19 =	rddreg [dreg:$0x4];
	[sflag:s8] =	ssyncadd.s32 $0xFFFFE000  }
0x8d: {  	[hbm4b:s19+s2] =	stream.linear.scatter [tilespmem:s7], [sflag:$0x2], $0x2000, $0x38;
	[tilespmem:$0x1F000] =	vst v63  }
0x8e: {  	_ =	swait.ge [sflag:s8], $0x2000  }
0x8f: {  	[sflag:s8] =	ssyncset.done $0x0  }
0x90: {  	[sflag:s8] =	ssyncadd.s32 $0xFFFFE000  }
0x91: {  	[tilespmem:s7], [sflag:$0x2] =	stream.linear.gather [spmem:s20], $0x2000, $0x38;
	[tilespmem:$0x1F000] =	vst v63  }
0x92: {  	_ =	swait.ge [sflag:s8], $0x2000  }
0x93: {  	[sflag:s8] =	ssyncset.done $0x0  }
0x94: {  	s17 =	rddreg [dreg:$0x5];
	[sflag:s8] =	ssyncadd.s32 $0xFFFFE000  }
0x95: {  	[hbm4b:s17+s2] =	stream.linear.scatter [tilespmem:s7], [sflag:$0x2], $0x2000, $0x38;
	[tilespmem:$0x1F000] =	vst v63  }
0x96: {  	_ =	swait.ge [sflag:s8], $0x2000  }
0x97: {  	[sflag:s8] =	ssyncset.done $0x0  }
0x98: {  	[sflag:s8] =	ssyncadd.s32 $0xFFFFE000  }
0x99: {  	[tilespmem:s7], [sflag:$0x2] =	stream.linear.gather [spmem:s21], $0x2000, $0x38;
	[tilespmem:$0x1F000] =	vst v63  }
0x9a: {  	_ =	swait.ge [sflag:s8], $0x2000  }
0x9b: {  	[sflag:s8] =	ssyncset.done $0x0  }
0x9c: {  	s18 =	rddreg [dreg:$0x6];
	[sflag:s8] =	ssyncadd.s32 $0xFFFFE000  }
0x9d: {  	[hbm4b:s18+s2] =	stream.linear.scatter [tilespmem:s7], [sflag:$0x2], $0x2000, $0x38;
	[tilespmem:$0x1F000] =	vst v63  }
0x9e: {  	_ =	swait.ge [sflag:s8], $0x2000  }
0x9f: {  	[sflag:s8] =	ssyncset.done $0x0  }
0xa0: {  	[sflag:s8] =	ssyncadd.s32 $0xFFFFE000  }
0xa1: {  	[tilespmem:s7], [sflag:$0x2] =	stream.linear.gather [spmem:s22], $0x2000, $0x38;
	[tilespmem:$0x1F000] =	vst v63  }
0xa2: {  	_ =	swait.ge [sflag:s8], $0x2000  }
0xa3: {  	[sflag:s8] =	ssyncset.done $0x0  }
0xa4: {  	s19 =	rddreg [dreg:$0x7];
	[sflag:s8] =	ssyncadd.s32 $0xFFFFE000  }
0xa5: {  	[hbm4b:s19+s2] =	stream.linear.scatter [tilespmem:s7], [sflag:$0x2], $0x2000, $0x38;
	[tilespmem:$0x1F000] =	vst v63  }
0xa6: {  	_ =	swait.ge [sflag:s8], $0x2000  }
0xa7: {  	[sflag:s8] =	ssyncset.done $0x0  }
0xa8: {  	[sflag:s8] =	ssyncadd.s32 $0xFFFFE000  }
0xa9: {  	[tilespmem:s7], [sflag:$0x2] =	stream.linear.gather [spmem:s23], $0x2000, $0x38;
	[tilespmem:$0x1F000] =	vst v63  }
0xaa: {  	_ =	swait.ge [sflag:s8], $0x2000  }
0xab: {  	[sflag:s8] =	ssyncset.done $0x0  }
0xac: {  	s17 =	rddreg [dreg:$0x8];
	[sflag:s8] =	ssyncadd.s32 $0xFFFFE000  }
0xad: {  	[hbm4b:s17+s2] =	stream.linear.scatter [tilespmem:s7], [sflag:$0x2], $0x2000, $0x38;
	[tilespmem:$0x1F000] =	vst v63  }
0xae: {  	_ =	swait.ge [sflag:s8], $0x2000  }
0xaf: {  	[sflag:s8] =	ssyncset.done $0x0  }
0xb0: {  	[sflag:s8] =	ssyncadd.s32 $0xFFFFE000  }
0xb1: {  	[tilespmem:s7], [sflag:$0x2] =	stream.linear.gather [spmem:s24], $0x2000, $0x38;
	[tilespmem:$0x1F000] =	vst v63  }
0xb2: {  	_ =	swait.ge [sflag:s8], $0x2000  }
0xb3: {  	[sflag:s8] =	ssyncset.done $0x0  }
0xb4: {  	s18 =	rddreg [dreg:$0x9];
	[sflag:s8] =	ssyncadd.s32 $0xFFFFE000  }
0xb5: {  	[hbm4b:s18+s2] =	stream.linear.scatter [tilespmem:s7], [sflag:$0x2], $0x2000, $0x38;
	[tilespmem:$0x1F000] =	vst v63  }
0xb6: {  	_ =	swait.ge [sflag:s8], $0x2000  }
0xb7: {  	[sflag:s8] =	ssyncset.done $0x0  }
0xb8: {  	[sflag:s8] =	ssyncadd.s32 $0xFFFFE000  }
0xb9: {  	[tilespmem:s7], [sflag:$0x2] =	stream.linear.gather [spmem:s25], $0x2000, $0x38;
	[tilespmem:$0x1F000] =	vst v63  }
0xba: {  	_ =	swait.ge [sflag:s8], $0x2000  }
0xbb: {  	[sflag:s8] =	ssyncset.done $0x0  }
0xbc: {  	s19 =	rddreg [dreg:$0xa];
	[sflag:s8] =	ssyncadd.s32 $0xFFFFE000  }
0xbd: {  	[hbm4b:s19+s2] =	stream.linear.scatter [tilespmem:s7], [sflag:$0x2], $0x2000, $0x38;
	[tilespmem:$0x1F000] =	vst v63  }
0xbe: {  	_ =	swait.ge [sflag:s8], $0x2000  }
0xbf: {  	[sflag:s8] =	ssyncset.done $0x0  }
0xc0: {  	[sflag:s8] =	ssyncadd.s32 $0xFFFFE000  }
0xc1: {  	[tilespmem:s7], [sflag:$0x2] =	stream.linear.gather [spmem:s26], $0x2000, $0x38;
	[tilespmem:$0x1F000] =	vst v63  }
0xc2: {  	_ =	swait.ge [sflag:s8], $0x2000  }
0xc3: {  	[sflag:s8] =	ssyncset.done $0x0  }
0xc4: {  	s17 =	rddreg [dreg:$0xb];
	[sflag:s8] =	ssyncadd.s32 $0xFFFFE000  }
0xc5: {  	[hbm4b:s17+s2] =	stream.linear.scatter [tilespmem:s7], [sflag:$0x2], $0x2000, $0x38;
	[tilespmem:$0x1F000] =	vst v63  }
0xc6: {  	_ =	swait.ge [sflag:s8], $0x2000  }
0xc7: {  	[sflag:s8] =	ssyncset.done $0x0  }
0xc8: {  	[sflag:s8] =	ssyncadd.s32 $0xFFFFE000  }
0xc9: {  	[tilespmem:s7], [sflag:$0x2] =	stream.linear.gather [spmem:s28], $0x2000, $0x38;
	[tilespmem:$0x1F000] =	vst v63  }
0xca: {  	_ =	swait.ge [sflag:s8], $0x2000  }
0xcb: {  	[sflag:s8] =	ssyncset.done $0x0  }
0xcc: {  	s18 =	rddreg [dreg:$0xc];
	[sflag:s8] =	ssyncadd.s32 $0xFFFFE000  }
0xcd: {  	[hbm4b:s18+s2] =	stream.linear.scatter [tilespmem:s7], [sflag:$0x2], $0x2000, $0x38;
	[tilespmem:$0x1F000] =	vst v63  }
0xce: {  	_ =	swait.ge [sflag:s8], $0x2000  }
0xcf: {  	s13 =	sadd.s32 $0x1, s13;
	s19 =	rddreg [dreg:$0xf]  }
0xd0: {  	p0 =	sne.s32 s13, s19  }
.Ltmp2:
0xd1: {  	_ = 	snop;
	(pc) =	sbr.rel @p0 .LBB2_1-.Ltmp2, $3  }
0xd2: {  	_ =	sdelay $0x1  }
0xd3: {  	[sflag:s8] =	ssyncset.done $0x0  }
0xd4: {  	[sflag:s8] =	ssyncadd.s32 $0xFFFFE000  }
0xd5: {  	_ =	sfence.sel $0x180000  }
0xd6: {  	[bflag:$0x0] =	sbarrier.arrive $0xFFFF  }
0xd7: {  	_ =	strace $0x9000004A  }
0xd8: {  	s0 =	stileid.u32;
	[bflag:$0x2] =	sbarrier.arrive $0xFFFF  }
0xd9: {  	p0 =	sne.s32 s0, $0x0;
	s0 =	rddreg [dreg:$0x2]  }
0xda: {  	s0 =	sadd.s32 @!p0 $0x100000, s0  }
0xdb: {  	[sflag:s0] =	ssyncadd.tile.s32 @!p0 $0x1;
	_ =	shalt  }
.Lfunc_end2:
_tile_overlayer_lowered:
.L_overlay_start_2:
0xdc: {  	(tag) =	ssettag $0x2  }
0xdd: {  	s0 =	rddreg [dreg:$0x0];
	s2 =	stileid.u32  }
0xde: {  	s1 =	rddreg [dreg:$0x1];
	p0 =	sne.s32 s2, $0x0  }
0xdf: {  	s3 =	rddreg [dreg:$0x2];
	[bflag:$0x3] =	sbarrier.arrive $0xFFFF;
	s2 =	simm.s32 @!p0 $0x1C02  }
0xe0: {  	[timem:s3], [sflag:s2] =	dma.local @!p0 [hbm:s0], s1  }
0xe1: {  	s0 =	simm.s32 @!p0 $0x2  }
0xe2: {  	_ =	swait.ge @!p0 [sflag:s0], s1  }
0xe3: {  	s1 =	ssub.s32 @!p0 $0x0, s1;
	[sflag:s0] =	ssyncset.done @!p0 $0x0  }
0xe4: {  	[sflag:s0] =	ssyncadd.s32 @!p0 s1  }
0xe5: {  	[bflag:$0x3] =	sbarrier.arrive $0xFFFF  }
0xe6: {  	_ =	shalt  }

</sc_bundles>
